<compile_context>
chip_gen: v7x
topology: tpu7x:2x2x1
jax: 0.10.2.dev20260603
libtpu: 0.0.44.dev20260713+nightly
codegen_flags: <defaults>
</compile_context>

<pallas_src>
import functools

import jax
import jax.numpy as jnp
from jax import lax
from jax.experimental import pallas as pl
from jax.experimental.pallas import tpu as pltpu
from jax.experimental.pallas import tpu_sc as plsc

B = 16384
F = 26
V = 100000
D = 16
NUM = 16

NC = 2
NS = 16
NW = NC * NS
R = F * D
PW = R // NW
QC = 4096
NQ = B // QC
UNROLL = 16


def _gather_body(tbl_hbm, xcat_hbm, out_hbm, row_v, idx_v, res0, res1,
                 rsem, isem, os0, os1):
    wid = lax.axis_index("s") * NC + lax.axis_index("c")
    @pl.when((lax.axis_index("s") & 1) == 1)
    def _stagger():
        pl.delay(3400)

    res_b = (res0, res1)
    osem = (os0, os1)

    def pair_body(j, _):
        p = wid * PW + j
        f = p >> 4
        row_cp = pltpu.async_copy(tbl_hbm.at[p], row_v, rsem)

        @pl.when((j == 0) | ((p & 15) == 0))
        def _load_idx():
            pltpu.async_copy(xcat_hbm.at[f], idx_v, isem).wait()

        row_cp.wait()
        ocp = [None, None]
        for t in range(NQ):
            b = t & 1
            if ocp[b] is not None:
                ocp[b].wait()
            rv = res_b[b]

            def gather_step(i, _):
                base = t * QC + i * (16 * UNROLL)
                for k in range(UNROLL):
                    o = base + k * 16
                    vec = idx_v[pl.ds(o, 16)]
                    rv[pl.ds(o - t * QC, 16)] = plsc.load_gather(row_v, [vec])
                return 0

            lax.fori_loop(0, QC // (16 * UNROLL), gather_step, 0)
            ocp[b] = pltpu.async_copy(
                rv, out_hbm.at[p, pl.ds(t * QC, QC)], osem[b])
        ocp[0].wait()
        ocp[1].wait()
        return 0

    lax.fori_loop(0, PW, pair_body, 0)


def _sc_gather(tblT, xcatT):
    mesh = plsc.VectorSubcoreMesh(core_axis_name="c", subcore_axis_name="s")
    f = pl.kernel(
        _gather_body,
        out_type=jax.ShapeDtypeStruct((R, B), jnp.float32),
        mesh=mesh,
        compiler_params=pltpu.CompilerParams(use_tc_tiling_on_sc=True,
                                             needs_layout_passes=False),
        scratch_types=[
            pltpu.VMEM((V,), jnp.float32),
            pltpu.VMEM((B,), jnp.int32),
            pltpu.VMEM((QC,), jnp.float32),
            pltpu.VMEM((QC,), jnp.float32),
            pltpu.SemaphoreType.DMA,
            pltpu.SemaphoreType.DMA,
            pltpu.SemaphoreType.DMA,
            pltpu.SemaphoreType.DMA,
        ],
    )
    return f(tblT, xcatT)


def _mlp_body(xnt_ref, et_ref, w1t_ref, b1_ref, w2t_ref, b2_ref, w3t_ref,
              b3_ref, o_ref):
    hp = jax.lax.Precision.DEFAULT
    h = jnp.dot(w1t_ref[:, :NUM], xnt_ref[...],
                preferred_element_type=jnp.float32, precision=hp)
    h = h + jnp.dot(w1t_ref[:, NUM:], et_ref[...],
                    preferred_element_type=jnp.float32, precision=hp)
    h = jnp.maximum(h + b1_ref[...], 0.0)
    h = jnp.dot(w2t_ref[...], h, preferred_element_type=jnp.float32,
                precision=hp)
    h = jnp.maximum(h + b2_ref[...], 0.0)
    o_ref[...] = jnp.dot(w3t_ref[...], h, preferred_element_type=jnp.float32,
                         precision=hp) + b3_ref[...]


def _tc_mlp(xnT, embsT, W1T, b1, W2T, b2, W3T, b3):
    BK = 4096
    in_dim = NUM + R
    grid = (B // BK,)
    return pl.pallas_call(
        _mlp_body,
        grid=grid,
        in_specs=[
            pl.BlockSpec((NUM, BK), lambda i: (0, i)),
            pl.BlockSpec((R, BK), lambda i: (0, i)),
            pl.BlockSpec((64, in_dim), lambda i: (0, 0)),
            pl.BlockSpec((64, 1), lambda i: (0, 0)),
            pl.BlockSpec((32, 64), lambda i: (0, 0)),
            pl.BlockSpec((32, 1), lambda i: (0, 0)),
            pl.BlockSpec((1, 32), lambda i: (0, 0)),
            pl.BlockSpec((1, 1), lambda i: (0, 0)),
        ],
        out_specs=pl.BlockSpec((1, BK), lambda i: (0, i)),
        out_shape=jax.ShapeDtypeStruct((1, B), jnp.float32),
    )(xnT, embsT, W1T, b1.reshape(64, 1), W2T, b2.reshape(32, 1), W3T,
      b3.reshape(1, 1))


def kernel(x_num, x_cat, emb_tables, W1, b1, W2, b2, W3, b3):
    tblT = emb_tables.transpose(0, 2, 1).reshape(R, V)
    xcatT = x_cat.T.astype(jnp.int32)
    embsT = _sc_gather(tblT, xcatT)
    outT = _tc_mlp(x_num.T, embsT, W1.T, b1, W2.T, b2, W3.T, b3)
    return outT.reshape(B, 1)

# --- scband reference (transcript-rebuilt; emitter-appended) ---
"""Pipeline reference for scband-f1-predictor-39135742001308 (READ-ONLY COPY).

The authoritative reference and input builder live on the scoring server;
editing this copy changes nothing except your own understanding.
"""

import jax, jax.numpy as jnp
import numpy as np

B = 16384
F = 26
V = 100000
D = 16
NUM = 16
IN_DIM = NUM + F * D


def setup_inputs(seed: int = 0) -> dict:
    key = jax.random.key(seed)
    ks = jax.random.split(key, 10)
    x_num = jax.random.normal(ks[0], (B, NUM), dtype=jnp.float32)
    x_cat = jax.random.randint(ks[1], (B, F), 0, V, dtype=jnp.int32)
    emb_tables = jax.random.normal(ks[2], (F, V, D), dtype=jnp.float32) * 0.05
    W1 = jax.random.normal(ks[3], (IN_DIM, 64), dtype=jnp.float32) * 0.05
    b1 = jnp.zeros((64,), dtype=jnp.float32)
    W2 = jax.random.normal(ks[4], (64, 32), dtype=jnp.float32) * 0.05
    b2 = jnp.zeros((32,), dtype=jnp.float32)
    W3 = jax.random.normal(ks[5], (32, 1), dtype=jnp.float32) * 0.05
    b3 = jnp.zeros((1,), dtype=jnp.float32)
    return {"x_num": x_num, "x_cat": x_cat, "emb_tables": emb_tables,
            "W1": W1, "b1": b1, "W2": W2, "b2": b2, "W3": W3, "b3": b3}


def reference(x_num, x_cat, emb_tables, W1, b1, W2, b2, W3, b3):
    # per-field embedding lookup: table i indexed by x_cat[:, i]
    f_idx = jnp.arange(emb_tables.shape[0])[None, :]  # [1, F]
    gathered = emb_tables[f_idx, x_cat]               # [B, F, D]
    embs = gathered.reshape(x_cat.shape[0], -1)       # [B, F*D] (same as torch.cat of per-field lookups)
    x = jnp.concatenate([x_num, embs], axis=1)
    h = jax.nn.relu(x @ W1 + b1)
    # Dropout(p=0.2) is identity in eval mode
    h = jax.nn.relu(h @ W2 + b2)
    out = h @ W3 + b3
    return out

if __name__ == "__main__":
    import jax
    _d = setup_inputs()
    print(jax.jit(kernel)(*tuple(_d.values())))

</pallas_src>

<mosaic_0001>
#map = affine_map<(d0, d1) -> (0, 0)>
module attributes {stable_mosaic.version = 14 : i64} {
  func.func @_gather_body(%arg0: i32, %arg1: i32, %arg2: memref<416x100000xf32, #tpu.memory_space<hbm>>, %arg3: memref<26x16384xi32, #tpu.memory_space<hbm>>, %arg4: memref<416x16384xf32, #tpu.memory_space<hbm>>, %arg5: memref<100000xf32, #tpu.memory_space<vmem>>, %arg6: memref<16384xi32, #tpu.memory_space<vmem>>, %arg7: memref<4096xf32, #tpu.memory_space<vmem>>, %arg8: memref<4096xf32, #tpu.memory_space<vmem>>, %arg9: memref<!tpu.dma_semaphore, #tpu.memory_space<semaphore_mem>>, %arg10: memref<!tpu.dma_semaphore, #tpu.memory_space<semaphore_mem>>, %arg11: memref<!tpu.dma_semaphore, #tpu.memory_space<semaphore_mem>>, %arg12: memref<!tpu.dma_semaphore, #tpu.memory_space<semaphore_mem>>) attributes {dimension_semantics = [#tpu.dimension_semantics<core_parallel>, #tpu.dimension_semantics<subcore_parallel>], iteration_bounds = array<i64: 2, 16>, scalar_prefetch = 0 : i64, scratch_operands = 8 : i64, tpu.core_type = #tpu.core_type<sc_vector_subcore>, window_params = [{transform_indices = #map}, {transform_indices = #map}, {transform_indices = #map}]} {
    %mul3A = arith.constant 2 : i32
    %mul3A_0 = arith.muli %arg1, %mul3A : i32
    %add3A = arith.addi %mul3A_0, %arg0 : i32
    %and3A = arith.constant 1 : i32
    %and3A_1 = arith.andi %arg1, %and3A : i32
    %eq3A = arith.constant 1 : i32
    %eq3A_2 = arith.cmpi eq, %and3A_1, %eq3A : i32
    %convert_element_type3A = arith.extui %eq3A_2 : i1 to i32
    %cond3A = arith.constant 0 : i32
    %cond3A_3 = arith.cmpi ne, %convert_element_type3A, %cond3A : i32
    scf.if %cond3A_3 {
      %delay3A = arith.constant 3400 : i32
      tpu.delay %delay3A
    } else {
    }
    %scan3A = arith.constant 0 : i32
    %scan3A_4 = arith.constant 0 : i32
    %scan3A_5 = arith.constant 13 : i32
    %scan3A_6 = arith.addi %scan3A_4, %scan3A_5 : i32
    %scan3A_7 = arith.constant 1 : i32
    %scan3A_8 = scf.for %scan3A_10 = %scan3A_4 to %scan3A_6 step %scan3A_7 iter_args(%scan3A_11 = %scan3A) -> (i32)  : i32 {
      %mul3A_12 = arith.constant 13 : i32
      %mul3A_13 = arith.muli %add3A, %mul3A_12 : i32
      %add3A_14 = arith.addi %mul3A_13, %scan3A_10 : i32
      %shift_right_arithmetic3A = arith.constant 4 : i32
      %shift_right_arithmetic3A_15 = arith.shrsi %add3A_14, %shift_right_arithmetic3A : i32
      %dma_start3A = arith.constant 0 : i32
      %dma_start3A_16 = tpu.memref_slice %arg2[%add3A_14, %dma_start3A] : memref<416x100000xf32, #tpu.memory_space<hbm>> -> memref<1x100000xf32, #tpu.memory_space<hbm>>
      %dma_start3A_17 = tpu.memref_squeeze %dma_start3A_16 : memref<1x100000xf32, #tpu.memory_space<hbm>> -> memref<100000xf32, #tpu.memory_space<hbm>>
      %dma_start3A_18 = arith.constant 0 : i32
      %dma_start3A_19 = tpu.memref_slice %arg2[%add3A_14, %dma_start3A_18] : memref<416x100000xf32, #tpu.memory_space<hbm>> -> memref<1x100000xf32, #tpu.memory_space<hbm>>
      %dma_start3A_20 = tpu.memref_squeeze %dma_start3A_19 : memref<1x100000xf32, #tpu.memory_space<hbm>> -> memref<100000xf32, #tpu.memory_space<hbm>>
      tpu.enqueue_dma source(%dma_start3A_20 : memref<100000xf32, #tpu.memory_space<hbm>>) target(%arg5 : memref<100000xf32, #tpu.memory_space<vmem>>) target_semaphore(%arg9 : memref<!tpu.dma_semaphore, #tpu.memory_space<semaphore_mem>>)
      %eq3A_21 = arith.constant 0 : i32
      %eq3A_22 = arith.cmpi eq, %scan3A_10, %eq3A_21 : i32
      %and3A_23 = arith.constant 15 : i32
      %and3A_24 = arith.andi %add3A_14, %and3A_23 : i32
      %eq3A_25 = arith.constant 0 : i32
      %eq3A_26 = arith.cmpi eq, %and3A_24, %eq3A_25 : i32
      %or3A = arith.ori %eq3A_22, %eq3A_26 : i1
      %convert_element_type3A_27 = arith.extui %or3A : i1 to i32
      %cond3A_28 = arith.constant 0 : i32
      %cond3A_29 = arith.cmpi ne, %convert_element_type3A_27, %cond3A_28 : i32
      scf.if %cond3A_29 {
        %dma_start3A_112 = arith.constant 0 : i32
        %dma_start3A_113 = tpu.memref_slice %arg3[%shift_right_arithmetic3A_15, %dma_start3A_112] : memref<26x16384xi32, #tpu.memory_space<hbm>> -> memref<1x16384xi32, #tpu.memory_space<hbm>>
        %dma_start3A_114 = tpu.memref_squeeze %dma_start3A_113 : memref<1x16384xi32, #tpu.memory_space<hbm>> -> memref<16384xi32, #tpu.memory_space<hbm>>
        %dma_start3A_115 = arith.constant 0 : i32
        %dma_start3A_116 = tpu.memref_slice %arg3[%shift_right_arithmetic3A_15, %dma_start3A_115] : memref<26x16384xi32, #tpu.memory_space<hbm>> -> memref<1x16384xi32, #tpu.memory_space<hbm>>
        %dma_start3A_117 = tpu.memref_squeeze %dma_start3A_116 : memref<1x16384xi32, #tpu.memory_space<hbm>> -> memref<16384xi32, #tpu.memory_space<hbm>>
        tpu.enqueue_dma source(%dma_start3A_117 : memref<16384xi32, #tpu.memory_space<hbm>>) target(%arg6 : memref<16384xi32, #tpu.memory_space<vmem>>) target_semaphore(%arg10 : memref<!tpu.dma_semaphore, #tpu.memory_space<semaphore_mem>>)
        %dma_wait3A_118 = arith.constant 0 : i32
        %dma_wait3A_119 = tpu.memref_slice %arg3[%shift_right_arithmetic3A_15, %dma_wait3A_118] : memref<26x16384xi32, #tpu.memory_space<hbm>> -> memref<1x16384xi32, #tpu.memory_space<hbm>>
        %dma_wait3A_120 = tpu.memref_squeeze %dma_wait3A_119 : memref<1x16384xi32, #tpu.memory_space<hbm>> -> memref<16384xi32, #tpu.memory_space<hbm>>
        %dma_wait3A_121 = arith.constant 0 : i32
        %dma_wait3A_122 = tpu.memref_slice %arg3[%shift_right_arithmetic3A_15, %dma_wait3A_121] : memref<26x16384xi32, #tpu.memory_space<hbm>> -> memref<1x16384xi32, #tpu.memory_space<hbm>>
        %dma_wait3A_123 = tpu.memref_squeeze %dma_wait3A_122 : memref<1x16384xi32, #tpu.memory_space<hbm>> -> memref<16384xi32, #tpu.memory_space<hbm>>
        tpu.wait_dma2 semaphore(%arg10 : memref<!tpu.dma_semaphore, #tpu.memory_space<semaphore_mem>>) src(%dma_wait3A_123 : memref<16384xi32, #tpu.memory_space<hbm>>) dst(%arg6 : memref<16384xi32, #tpu.memory_space<vmem>>)
      } else {
      }
      %dma_wait3A = arith.constant 0 : i32
      %dma_wait3A_30 = tpu.memref_slice %arg2[%add3A_14, %dma_wait3A] : memref<416x100000xf32, #tpu.memory_space<hbm>> -> memref<1x100000xf32, #tpu.memory_space<hbm>>
      %dma_wait3A_31 = tpu.memref_squeeze %dma_wait3A_30 : memref<1x100000xf32, #tpu.memory_space<hbm>> -> memref<100000xf32, #tpu.memory_space<hbm>>
      %dma_wait3A_32 = arith.constant 0 : i32
      %dma_wait3A_33 = tpu.memref_slice %arg2[%add3A_14, %dma_wait3A_32] : memref<416x100000xf32, #tpu.memory_space<hbm>> -> memref<1x100000xf32, #tpu.memory_space<hbm>>
      %dma_wait3A_34 = tpu.memref_squeeze %dma_wait3A_33 : memref<1x100000xf32, #tpu.memory_space<hbm>> -> memref<100000xf32, #tpu.memory_space<hbm>>
      tpu.wait_dma2 semaphore(%arg9 : memref<!tpu.dma_semaphore, #tpu.memory_space<semaphore_mem>>) src(%dma_wait3A_34 : memref<100000xf32, #tpu.memory_space<hbm>>) dst(%arg5 : memref<100000xf32, #tpu.memory_space<vmem>>)
      %scan3A_35 = arith.constant 0 : i32
      %scan3A_36 = arith.constant 0 : i32
      %scan3A_37 = arith.constant 16 : i32
      %scan3A_38 = arith.addi %scan3A_36, %scan3A_37 : i32
      %scan3A_39 = arith.constant 1 : i32
      %scan3A_40 = scf.for %scan3A_112 = %scan3A_36 to %scan3A_38 step %scan3A_39 iter_args(%scan3A_113 = %scan3A_35) -> (i32)  : i32 {
        %mul3A_114 = arith.constant 256 : i32
        %mul3A_115 = arith.muli %scan3A_112, %mul3A_114 : i32
        %add3A_116 = arith.constant 0 : i32
        %add3A_117 = arith.addi %add3A_116, %mul3A_115 : i32
        %add3A_118 = arith.constant 0 : i32
        %add3A_119 = arith.addi %add3A_117, %add3A_118 : i32
        %get3A = arith.index_cast %add3A_119 : i32 to index
        %get3A_120 = tpu.vector_load %arg6[%get3A] {strides = array<i32>} : memref<16384xi32, #tpu.memory_space<vmem>>, vector<16xi32>,
        %gather3A = tpu.vector_load_idx %arg5[%get3A_120] : memref<100000xf32, #tpu.memory_space<vmem>>[vector<16xi32>], vector<16xf32>,
        %sub3A = arith.constant 0 : i32
        %sub3A_121 = arith.subi %add3A_119, %sub3A : i32
        %swap3A = arith.index_cast %sub3A_121 : i32 to index
        %swap3A_122 = tpu.vector_load %arg7[%swap3A] {strides = array<i32>} : memref<4096xf32, #tpu.memory_space<vmem>>, vector<16xf32>,
        tpu.vector_store %arg7[%swap3A], %gather3A {strides = array<i32>} : memref<4096xf32, #tpu.memory_space<vmem>>, vector<16xf32>,
        %add3A_123 = arith.constant 16 : i32
        %add3A_124 = arith.addi %add3A_117, %add3A_123 : i32
        %get3A_125 = arith.index_cast %add3A_124 : i32 to index
        %get3A_126 = tpu.vector_load %arg6[%get3A_125] {strides = array<i32>} : memref<16384xi32, #tpu.memory_space<vmem>>, vector<16xi32>,
        %gather3A_127 = tpu.vector_load_idx %arg5[%get3A_126] : memref<100000xf32, #tpu.memory_space<vmem>>[vector<16xi32>], vector<16xf32>,
        %sub3A_128 = arith.constant 0 : i32
        %sub3A_129 = arith.subi %add3A_124, %sub3A_128 : i32
        %swap3A_130 = arith.index_cast %sub3A_129 : i32 to index
        %swap3A_131 = tpu.vector_load %arg7[%swap3A_130] {strides = array<i32>} : memref<4096xf32, #tpu.memory_space<vmem>>, vector<16xf32>,
        tpu.vector_store %arg7[%swap3A_130], %gather3A_127 {strides = array<i32>} : memref<4096xf32, #tpu.memory_space<vmem>>, vector<16xf32>,
        %add3A_132 = arith.constant 32 : i32
        %add3A_133 = arith.addi %add3A_117, %add3A_132 : i32
        %get3A_134 = arith.index_cast %add3A_133 : i32 to index
        %get3A_135 = tpu.vector_load %arg6[%get3A_134] {strides = array<i32>} : memref<16384xi32, #tpu.memory_space<vmem>>, vector<16xi32>,
        %gather3A_136 = tpu.vector_load_idx %arg5[%get3A_135] : memref<100000xf32, #tpu.memory_space<vmem>>[vector<16xi32>], vector<16xf32>,
        %sub3A_137 = arith.constant 0 : i32
        %sub3A_138 = arith.subi %add3A_133, %sub3A_137 : i32
        %swap3A_139 = arith.index_cast %sub3A_138 : i32 to index
        %swap3A_140 = tpu.vector_load %arg7[%swap3A_139] {strides = array<i32>} : memref<4096xf32, #tpu.memory_space<vmem>>, vector<16xf32>,
        tpu.vector_store %arg7[%swap3A_139], %gather3A_136 {strides = array<i32>} : memref<4096xf32, #tpu.memory_space<vmem>>, vector<16xf32>,
        %add3A_141 = arith.constant 48 : i32
        %add3A_142 = arith.addi %add3A_117, %add3A_141 : i32
        %get3A_143 = arith.index_cast %add3A_142 : i32 to index
        %get3A_144 = tpu.vector_load %arg6[%get3A_143] {strides = array<i32>} : memref<16384xi32, #tpu.memory_space<vmem>>, vector<16xi32>,
        %gather3A_145 = tpu.vector_load_idx %arg5[%get3A_144] : memref<100000xf32, #tpu.memory_space<vmem>>[vector<16xi32>], vector<16xf32>,
        %sub3A_146 = arith.constant 0 : i32
        %sub3A_147 = arith.subi %add3A_142, %sub3A_146 : i32
        %swap3A_148 = arith.index_cast %sub3A_147 : i32 to index
        %swap3A_149 = tpu.vector_load %arg7[%swap3A_148] {strides = array<i32>} : memref<4096xf32, #tpu.memory_space<vmem>>, vector<16xf32>,
        tpu.vector_store %arg7[%swap3A_148], %gather3A_145 {strides = array<i32>} : memref<4096xf32, #tpu.memory_space<vmem>>, vector<16xf32>,
        %add3A_150 = arith.constant 64 : i32
        %add3A_151 = arith.addi %add3A_117, %add3A_150 : i32
        %get3A_152 = arith.index_cast %add3A_151 : i32 to index
        %get3A_153 = tpu.vector_load %arg6[%get3A_152] {strides = array<i32>} : memref<16384xi32, #tpu.memory_space<vmem>>, vector<16xi32>,
        %gather3A_154 = tpu.vector_load_idx %arg5[%get3A_153] : memref<100000xf32, #tpu.memory_space<vmem>>[vector<16xi32>], vector<16xf32>,
        %sub3A_155 = arith.constant 0 : i32
        %sub3A_156 = arith.subi %add3A_151, %sub3A_155 : i32
        %swap3A_157 = arith.index_cast %sub3A_156 : i32 to index
        %swap3A_158 = tpu.vector_load %arg7[%swap3A_157] {strides = array<i32>} : memref<4096xf32, #tpu.memory_space<vmem>>, vector<16xf32>,
        tpu.vector_store %arg7[%swap3A_157], %gather3A_154 {strides = array<i32>} : memref<4096xf32, #tpu.memory_space<vmem>>, vector<16xf32>,
        %add3A_159 = arith.constant 80 : i32
        %add3A_160 = arith.addi %add3A_117, %add3A_159 : i32
        %get3A_161 = arith.index_cast %add3A_160 : i32 to index
        %get3A_162 = tpu.vector_load %arg6[%get3A_161] {strides = array<i32>} : memref<16384xi32, #tpu.memory_space<vmem>>, vector<16xi32>,
        %gather3A_163 = tpu.vector_load_idx %arg5[%get3A_162] : memref<100000xf32, #tpu.memory_space<vmem>>[vector<16xi32>], vector<16xf32>,
        %sub3A_164 = arith.constant 0 : i32
        %sub3A_165 = arith.subi %add3A_160, %sub3A_164 : i32
        %swap3A_166 = arith.index_cast %sub3A_165 : i32 to index
        %swap3A_167 = tpu.vector_load %arg7[%swap3A_166] {strides = array<i32>} : memref<4096xf32, #tpu.memory_space<vmem>>, vector<16xf32>,
        tpu.vector_store %arg7[%swap3A_166], %gather3A_163 {strides = array<i32>} : memref<4096xf32, #tpu.memory_space<vmem>>, vector<16xf32>,
        %add3A_168 = arith.constant 96 : i32
        %add3A_169 = arith.addi %add3A_117, %add3A_168 : i32
        %get3A_170 = arith.index_cast %add3A_169 : i32 to index
        %get3A_171 = tpu.vector_load %arg6[%get3A_170] {strides = array<i32>} : memref<16384xi32, #tpu.memory_space<vmem>>, vector<16xi32>,
        %gather3A_172 = tpu.vector_load_idx %arg5[%get3A_171] : memref<100000xf32, #tpu.memory_space<vmem>>[vector<16xi32>], vector<16xf32>,
        %sub3A_173 = arith.constant 0 : i32
        %sub3A_174 = arith.subi %add3A_169, %sub3A_173 : i32
        %swap3A_175 = arith.index_cast %sub3A_174 : i32 to index
        %swap3A_176 = tpu.vector_load %arg7[%swap3A_175] {strides = array<i32>} : memref<4096xf32, #tpu.memory_space<vmem>>, vector<16xf32>,
        tpu.vector_store %arg7[%swap3A_175], %gather3A_172 {strides = array<i32>} : memref<4096xf32, #tpu.memory_space<vmem>>, vector<16xf32>,
        %add3A_177 = arith.constant 112 : i32
        %add3A_178 = arith.addi %add3A_117, %add3A_177 : i32
        %get3A_179 = arith.index_cast %add3A_178 : i32 to index
        %get3A_180 = tpu.vector_load %arg6[%get3A_179] {strides = array<i32>} : memref<16384xi32, #tpu.memory_space<vmem>>, vector<16xi32>,
        %gather3A_181 = tpu.vector_load_idx %arg5[%get3A_180] : memref<100000xf32, #tpu.memory_space<vmem>>[vector<16xi32>], vector<16xf32>,
        %sub3A_182 = arith.constant 0 : i32
        %sub3A_183 = arith.subi %add3A_178, %sub3A_182 : i32
        %swap3A_184 = arith.index_cast %sub3A_183 : i32 to index
        %swap3A_185 = tpu.vector_load %arg7[%swap3A_184] {strides = array<i32>} : memref<4096xf32, #tpu.memory_space<vmem>>, vector<16xf32>,
        tpu.vector_store %arg7[%swap3A_184], %gather3A_181 {strides = array<i32>} : memref<4096xf32, #tpu.memory_space<vmem>>, vector<16xf32>,
        %add3A_186 = arith.constant 128 : i32
        %add3A_187 = arith.addi %add3A_117, %add3A_186 : i32
        %get3A_188 = arith.index_cast %add3A_187 : i32 to index
        %get3A_189 = tpu.vector_load %arg6[%get3A_188] {strides = array<i32>} : memref<16384xi32, #tpu.memory_space<vmem>>, vector<16xi32>,
        %gather3A_190 = tpu.vector_load_idx %arg5[%get3A_189] : memref<100000xf32, #tpu.memory_space<vmem>>[vector<16xi32>], vector<16xf32>,
        %sub3A_191 = arith.constant 0 : i32
        %sub3A_192 = arith.subi %add3A_187, %sub3A_191 : i32
        %swap3A_193 = arith.index_cast %sub3A_192 : i32 to index
        %swap3A_194 = tpu.vector_load %arg7[%swap3A_193] {strides = array<i32>} : memref<4096xf32, #tpu.memory_space<vmem>>, vector<16xf32>,
        tpu.vector_store %arg7[%swap3A_193], %gather3A_190 {strides = array<i32>} : memref<4096xf32, #tpu.memory_space<vmem>>, vector<16xf32>,
        %add3A_195 = arith.constant 144 : i32
        %add3A_196 = arith.addi %add3A_117, %add3A_195 : i32
        %get3A_197 = arith.index_cast %add3A_196 : i32 to index
        %get3A_198 = tpu.vector_load %arg6[%get3A_197] {strides = array<i32>} : memref<16384xi32, #tpu.memory_space<vmem>>, vector<16xi32>,
        %gather3A_199 = tpu.vector_load_idx %arg5[%get3A_198] : memref<100000xf32, #tpu.memory_space<vmem>>[vector<16xi32>], vector<16xf32>,
        %sub3A_200 = arith.constant 0 : i32
        %sub3A_201 = arith.subi %add3A_196, %sub3A_200 : i32
        %swap3A_202 = arith.index_cast %sub3A_201 : i32 to index
        %swap3A_203 = tpu.vector_load %arg7[%swap3A_202] {strides = array<i32>} : memref<4096xf32, #tpu.memory_space<vmem>>, vector<16xf32>,
        tpu.vector_store %arg7[%swap3A_202], %gather3A_199 {strides = array<i32>} : memref<4096xf32, #tpu.memory_space<vmem>>, vector<16xf32>,
        %add3A_204 = arith.constant 160 : i32
        %add3A_205 = arith.addi %add3A_117, %add3A_204 : i32
        %get3A_206 = arith.index_cast %add3A_205 : i32 to index
        %get3A_207 = tpu.vector_load %arg6[%get3A_206] {strides = array<i32>} : memref<16384xi32, #tpu.memory_space<vmem>>, vector<16xi32>,
        %gather3A_208 = tpu.vector_load_idx %arg5[%get3A_207] : memref<100000xf32, #tpu.memory_space<vmem>>[vector<16xi32>], vector<16xf32>,
        %sub3A_209 = arith.constant 0 : i32
        %sub3A_210 = arith.subi %add3A_205, %sub3A_209 : i32
        %swap3A_211 = arith.index_cast %sub3A_210 : i32 to index
        %swap3A_212 = tpu.vector_load %arg7[%swap3A_211] {strides = array<i32>} : memref<4096xf32, #tpu.memory_space<vmem>>, vector<16xf32>,
        tpu.vector_store %arg7[%swap3A_211], %gather3A_208 {strides = array<i32>} : memref<4096xf32, #tpu.memory_space<vmem>>, vector<16xf32>,
        %add3A_213 = arith.constant 176 : i32
        %add3A_214 = arith.addi %add3A_117, %add3A_213 : i32
        %get3A_215 = arith.index_cast %add3A_214 : i32 to index
        %get3A_216 = tpu.vector_load %arg6[%get3A_215] {strides = array<i32>} : memref<16384xi32, #tpu.memory_space<vmem>>, vector<16xi32>,
        %gather3A_217 = tpu.vector_load_idx %arg5[%get3A_216] : memref<100000xf32, #tpu.memory_space<vmem>>[vector<16xi32>], vector<16xf32>,
        %sub3A_218 = arith.constant 0 : i32
        %sub3A_219 = arith.subi %add3A_214, %sub3A_218 : i32
        %swap3A_220 = arith.index_cast %sub3A_219 : i32 to index
        %swap3A_221 = tpu.vector_load %arg7[%swap3A_220] {strides = array<i32>} : memref<4096xf32, #tpu.memory_space<vmem>>, vector<16xf32>,
        tpu.vector_store %arg7[%swap3A_220], %gather3A_217 {strides = array<i32>} : memref<4096xf32, #tpu.memory_space<vmem>>, vector<16xf32>,
        %add3A_222 = arith.constant 192 : i32
        %add3A_223 = arith.addi %add3A_117, %add3A_222 : i32
        %get3A_224 = arith.index_cast %add3A_223 : i32 to index
        %get3A_225 = tpu.vector_load %arg6[%get3A_224] {strides = array<i32>} : memref<16384xi32, #tpu.memory_space<vmem>>, vector<16xi32>,
        %gather3A_226 = tpu.vector_load_idx %arg5[%get3A_225] : memref<100000xf32, #tpu.memory_space<vmem>>[vector<16xi32>], vector<16xf32>,
        %sub3A_227 = arith.constant 0 : i32
        %sub3A_228 = arith.subi %add3A_223, %sub3A_227 : i32
        %swap3A_229 = arith.index_cast %sub3A_228 : i32 to index
        %swap3A_230 = tpu.vector_load %arg7[%swap3A_229] {strides = array<i32>} : memref<4096xf32, #tpu.memory_space<vmem>>, vector<16xf32>,
        tpu.vector_store %arg7[%swap3A_229], %gather3A_226 {strides = array<i32>} : memref<4096xf32, #tpu.memory_space<vmem>>, vector<16xf32>,
        %add3A_231 = arith.constant 208 : i32
        %add3A_232 = arith.addi %add3A_117, %add3A_231 : i32
        %get3A_233 = arith.index_cast %add3A_232 : i32 to index
        %get3A_234 = tpu.vector_load %arg6[%get3A_233] {strides = array<i32>} : memref<16384xi32, #tpu.memory_space<vmem>>, vector<16xi32>,
        %gather3A_235 = tpu.vector_load_idx %arg5[%get3A_234] : memref<100000xf32, #tpu.memory_space<vmem>>[vector<16xi32>], vector<16xf32>,
        %sub3A_236 = arith.constant 0 : i32
        %sub3A_237 = arith.subi %add3A_232, %sub3A_236 : i32
        %swap3A_238 = arith.index_cast %sub3A_237 : i32 to index
        %swap3A_239 = tpu.vector_load %arg7[%swap3A_238] {strides = array<i32>} : memref<4096xf32, #tpu.memory_space<vmem>>, vector<16xf32>,
        tpu.vector_store %arg7[%swap3A_238], %gather3A_235 {strides = array<i32>} : memref<4096xf32, #tpu.memory_space<vmem>>, vector<16xf32>,
        %add3A_240 = arith.constant 224 : i32
        %add3A_241 = arith.addi %add3A_117, %add3A_240 : i32
        %get3A_242 = arith.index_cast %add3A_241 : i32 to index
        %get3A_243 = tpu.vector_load %arg6[%get3A_242] {strides = array<i32>} : memref<16384xi32, #tpu.memory_space<vmem>>, vector<16xi32>,
        %gather3A_244 = tpu.vector_load_idx %arg5[%get3A_243] : memref<100000xf32, #tpu.memory_space<vmem>>[vector<16xi32>], vector<16xf32>,
        %sub3A_245 = arith.constant 0 : i32
        %sub3A_246 = arith.subi %add3A_241, %sub3A_245 : i32
        %swap3A_247 = arith.index_cast %sub3A_246 : i32 to index
        %swap3A_248 = tpu.vector_load %arg7[%swap3A_247] {strides = array<i32>} : memref<4096xf32, #tpu.memory_space<vmem>>, vector<16xf32>,
        tpu.vector_store %arg7[%swap3A_247], %gather3A_244 {strides = array<i32>} : memref<4096xf32, #tpu.memory_space<vmem>>, vector<16xf32>,
        %add3A_249 = arith.constant 240 : i32
        %add3A_250 = arith.addi %add3A_117, %add3A_249 : i32
        %get3A_251 = arith.index_cast %add3A_250 : i32 to index
        %get3A_252 = tpu.vector_load %arg6[%get3A_251] {strides = array<i32>} : memref<16384xi32, #tpu.memory_space<vmem>>, vector<16xi32>,
        %gather3A_253 = tpu.vector_load_idx %arg5[%get3A_252] : memref<100000xf32, #tpu.memory_space<vmem>>[vector<16xi32>], vector<16xf32>,
        %sub3A_254 = arith.constant 0 : i32
        %sub3A_255 = arith.subi %add3A_250, %sub3A_254 : i32
        %swap3A_256 = arith.index_cast %sub3A_255 : i32 to index
        %swap3A_257 = tpu.vector_load %arg7[%swap3A_256] {strides = array<i32>} : memref<4096xf32, #tpu.memory_space<vmem>>, vector<16xf32>,
        tpu.vector_store %arg7[%swap3A_256], %gather3A_253 {strides = array<i32>} : memref<4096xf32, #tpu.memory_space<vmem>>, vector<16xf32>,
        %scan3A_258 = arith.constant 0 : i32
        scf.yield %scan3A_258 : i32
      }
      %scan3A_41 = arith.constant 16 : i32
      %dma_start3A_42 = arith.constant 0 : i32
      %dma_start3A_43 = tpu.memref_slice %arg4[%add3A_14, %dma_start3A_42] : memref<416x16384xf32, #tpu.memory_space<hbm>> -> memref<1x4096xf32, #tpu.memory_space<hbm>>
      %dma_start3A_44 = tpu.memref_squeeze %dma_start3A_43 : memref<1x4096xf32, #tpu.memory_space<hbm>> -> memref<4096xf32, #tpu.memory_space<hbm>>
      %dma_start3A_45 = arith.constant 0 : i32
      %dma_start3A_46 = tpu.memref_slice %arg4[%add3A_14, %dma_start3A_45] : memref<416x16384xf32, #tpu.memory_space<hbm>> -> memref<1x4096xf32, #tpu.memory_space<hbm>>
      %dma_start3A_47 = tpu.memref_squeeze %dma_start3A_46 : memref<1x4096xf32, #tpu.memory_space<hbm>> -> memref<4096xf32, #tpu.memory_space<hbm>>
      tpu.enqueue_dma source(%arg7 : memref<4096xf32, #tpu.memory_space<vmem>>) target(%dma_start3A_47 : memref<4096xf32, #tpu.memory_space<hbm>>) target_semaphore(%arg11 : memref<!tpu.dma_semaphore, #tpu.memory_space<semaphore_mem>>)
      %scan3A_48 = arith.constant 0 : i32
      %scan3A_49 = arith.constant 0 : i32
      %scan3A_50 = arith.constant 16 : i32
      %scan3A_51 = arith.addi %scan3A_49, %scan3A_50 : i32
      %scan3A_52 = arith.constant 1 : i32
      %scan3A_53 = scf.for %scan3A_112 = %scan3A_49 to %scan3A_51 step %scan3A_52 iter_args(%scan3A_113 = %scan3A_48) -> (i32)  : i32 {
        %mul3A_114 = arith.constant 256 : i32
        %mul3A_115 = arith.muli %scan3A_112, %mul3A_114 : i32
        %add3A_116 = arith.constant 4096 : i32
        %add3A_117 = arith.addi %add3A_116, %mul3A_115 : i32
        %add3A_118 = arith.constant 0 : i32
        %add3A_119 = arith.addi %add3A_117, %add3A_118 : i32
        %get3A = arith.index_cast %add3A_119 : i32 to index
        %get3A_120 = tpu.vector_load %arg6[%get3A] {strides = array<i32>} : memref<16384xi32, #tpu.memory_space<vmem>>, vector<16xi32>,
        %gather3A = tpu.vector_load_idx %arg5[%get3A_120] : memref<100000xf32, #tpu.memory_space<vmem>>[vector<16xi32>], vector<16xf32>,
        %sub3A = arith.constant 4096 : i32
        %sub3A_121 = arith.subi %add3A_119, %sub3A : i32
        %swap3A = arith.index_cast %sub3A_121 : i32 to index
        %swap3A_122 = tpu.vector_load %arg8[%swap3A] {strides = array<i32>} : memref<4096xf32, #tpu.memory_space<vmem>>, vector<16xf32>,
        tpu.vector_store %arg8[%swap3A], %gather3A {strides = array<i32>} : memref<4096xf32, #tpu.memory_space<vmem>>, vector<16xf32>,
        %add3A_123 = arith.constant 16 : i32
        %add3A_124 = arith.addi %add3A_117, %add3A_123 : i32
        %get3A_125 = arith.index_cast %add3A_124 : i32 to index
        %get3A_126 = tpu.vector_load %arg6[%get3A_125] {strides = array<i32>} : memref<16384xi32, #tpu.memory_space<vmem>>, vector<16xi32>,
        %gather3A_127 = tpu.vector_load_idx %arg5[%get3A_126] : memref<100000xf32, #tpu.memory_space<vmem>>[vector<16xi32>], vector<16xf32>,
        %sub3A_128 = arith.constant 4096 : i32
        %sub3A_129 = arith.subi %add3A_124, %sub3A_128 : i32
        %swap3A_130 = arith.index_cast %sub3A_129 : i32 to index
        %swap3A_131 = tpu.vector_load %arg8[%swap3A_130] {strides = array<i32>} : memref<4096xf32, #tpu.memory_space<vmem>>, vector<16xf32>,
        tpu.vector_store %arg8[%swap3A_130], %gather3A_127 {strides = array<i32>} : memref<4096xf32, #tpu.memory_space<vmem>>, vector<16xf32>,
        %add3A_132 = arith.constant 32 : i32
        %add3A_133 = arith.addi %add3A_117, %add3A_132 : i32
        %get3A_134 = arith.index_cast %add3A_133 : i32 to index
        %get3A_135 = tpu.vector_load %arg6[%get3A_134] {strides = array<i32>} : memref<16384xi32, #tpu.memory_space<vmem>>, vector<16xi32>,
        %gather3A_136 = tpu.vector_load_idx %arg5[%get3A_135] : memref<100000xf32, #tpu.memory_space<vmem>>[vector<16xi32>], vector<16xf32>,
        %sub3A_137 = arith.constant 4096 : i32
        %sub3A_138 = arith.subi %add3A_133, %sub3A_137 : i32
        %swap3A_139 = arith.index_cast %sub3A_138 : i32 to index
        %swap3A_140 = tpu.vector_load %arg8[%swap3A_139] {strides = array<i32>} : memref<4096xf32, #tpu.memory_space<vmem>>, vector<16xf32>,
        tpu.vector_store %arg8[%swap3A_139], %gather3A_136 {strides = array<i32>} : memref<4096xf32, #tpu.memory_space<vmem>>, vector<16xf32>,
        %add3A_141 = arith.constant 48 : i32
        %add3A_142 = arith.addi %add3A_117, %add3A_141 : i32
        %get3A_143 = arith.index_cast %add3A_142 : i32 to index
        %get3A_144 = tpu.vector_load %arg6[%get3A_143] {strides = array<i32>} : memref<16384xi32, #tpu.memory_space<vmem>>, vector<16xi32>,
        %gather3A_145 = tpu.vector_load_idx %arg5[%get3A_144] : memref<100000xf32, #tpu.memory_space<vmem>>[vector<16xi32>], vector<16xf32>,
        %sub3A_146 = arith.constant 4096 : i32
        %sub3A_147 = arith.subi %add3A_142, %sub3A_146 : i32
        %swap3A_148 = arith.index_cast %sub3A_147 : i32 to index
        %swap3A_149 = tpu.vector_load %arg8[%swap3A_148] {strides = array<i32>} : memref<4096xf32, #tpu.memory_space<vmem>>, vector<16xf32>,
        tpu.vector_store %arg8[%swap3A_148], %gather3A_145 {strides = array<i32>} : memref<4096xf32, #tpu.memory_space<vmem>>, vector<16xf32>,
        %add3A_150 = arith.constant 64 : i32
        %add3A_151 = arith.addi %add3A_117, %add3A_150 : i32
        %get3A_152 = arith.index_cast %add3A_151 : i32 to index
        %get3A_153 = tpu.vector_load %arg6[%get3A_152] {strides = array<i32>} : memref<16384xi32, #tpu.memory_space<vmem>>, vector<16xi32>,
        %gather3A_154 = tpu.vector_load_idx %arg5[%get3A_153] : memref<100000xf32, #tpu.memory_space<vmem>>[vector<16xi32>], vector<16xf32>,
        %sub3A_155 = arith.constant 4096 : i32
        %sub3A_156 = arith.subi %add3A_151, %sub3A_155 : i32
        %swap3A_157 = arith.index_cast %sub3A_156 : i32 to index
        %swap3A_158 = tpu.vector_load %arg8[%swap3A_157] {strides = array<i32>} : memref<4096xf32, #tpu.memory_space<vmem>>, vector<16xf32>,
        tpu.vector_store %arg8[%swap3A_157], %gather3A_154 {strides = array<i32>} : memref<4096xf32, #tpu.memory_space<vmem>>, vector<16xf32>,
        %add3A_159 = arith.constant 80 : i32
        %add3A_160 = arith.addi %add3A_117, %add3A_159 : i32
        %get3A_161 = arith.index_cast %add3A_160 : i32 to index
        %get3A_162 = tpu.vector_load %arg6[%get3A_161] {strides = array<i32>} : memref<16384xi32, #tpu.memory_space<vmem>>, vector<16xi32>,
        %gather3A_163 = tpu.vector_load_idx %arg5[%get3A_162] : memref<100000xf32, #tpu.memory_space<vmem>>[vector<16xi32>], vector<16xf32>,
        %sub3A_164 = arith.constant 4096 : i32
        %sub3A_165 = arith.subi %add3A_160, %sub3A_164 : i32
        %swap3A_166 = arith.index_cast %sub3A_165 : i32 to index
        %swap3A_167 = tpu.vector_load %arg8[%swap3A_166] {strides = array<i32>} : memref<4096xf32, #tpu.memory_space<vmem>>, vector<16xf32>,
        tpu.vector_store %arg8[%swap3A_166], %gather3A_163 {strides = array<i32>} : memref<4096xf32, #tpu.memory_space<vmem>>, vector<16xf32>,
        %add3A_168 = arith.constant 96 : i32
        %add3A_169 = arith.addi %add3A_117, %add3A_168 : i32
        %get3A_170 = arith.index_cast %add3A_169 : i32 to index
        %get3A_171 = tpu.vector_load %arg6[%get3A_170] {strides = array<i32>} : memref<16384xi32, #tpu.memory_space<vmem>>, vector<16xi32>,
        %gather3A_172 = tpu.vector_load_idx %arg5[%get3A_171] : memref<100000xf32, #tpu.memory_space<vmem>>[vector<16xi32>], vector<16xf32>,
        %sub3A_173 = arith.constant 4096 : i32
        %sub3A_174 = arith.subi %add3A_169, %sub3A_173 : i32
        %swap3A_175 = arith.index_cast %sub3A_174 : i32 to index
        %swap3A_176 = tpu.vector_load %arg8[%swap3A_175] {strides = array<i32>} : memref<4096xf32, #tpu.memory_space<vmem>>, vector<16xf32>,
        tpu.vector_store %arg8[%swap3A_175], %gather3A_172 {strides = array<i32>} : memref<4096xf32, #tpu.memory_space<vmem>>, vector<16xf32>,
        %add3A_177 = arith.constant 112 : i32
        %add3A_178 = arith.addi %add3A_117, %add3A_177 : i32
        %get3A_179 = arith.index_cast %add3A_178 : i32 to index
        %get3A_180 = tpu.vector_load %arg6[%get3A_179] {strides = array<i32>} : memref<16384xi32, #tpu.memory_space<vmem>>, vector<16xi32>,
        %gather3A_181 = tpu.vector_load_idx %arg5[%get3A_180] : memref<100000xf32, #tpu.memory_space<vmem>>[vector<16xi32>], vector<16xf32>,
        %sub3A_182 = arith.constant 4096 : i32
        %sub3A_183 = arith.subi %add3A_178, %sub3A_182 : i32
        %swap3A_184 = arith.index_cast %sub3A_183 : i32 to index
        %swap3A_185 = tpu.vector_load %arg8[%swap3A_184] {strides = array<i32>} : memref<4096xf32, #tpu.memory_space<vmem>>, vector<16xf32>,
        tpu.vector_store %arg8[%swap3A_184], %gather3A_181 {strides = array<i32>} : memref<4096xf32, #tpu.memory_space<vmem>>, vector<16xf32>,
        %add3A_186 = arith.constant 128 : i32
        %add3A_187 = arith.addi %add3A_117, %add3A_186 : i32
        %get3A_188 = arith.index_cast %add3A_187 : i32 to index
        %get3A_189 = tpu.vector_load %arg6[%get3A_188] {strides = array<i32>} : memref<16384xi32, #tpu.memory_space<vmem>>, vector<16xi32>,
        %gather3A_190 = tpu.vector_load_idx %arg5[%get3A_189] : memref<100000xf32, #tpu.memory_space<vmem>>[vector<16xi32>], vector<16xf32>,
        %sub3A_191 = arith.constant 4096 : i32
        %sub3A_192 = arith.subi %add3A_187, %sub3A_191 : i32
        %swap3A_193 = arith.index_cast %sub3A_192 : i32 to index
        %swap3A_194 = tpu.vector_load %arg8[%swap3A_193] {strides = array<i32>} : memref<4096xf32, #tpu.memory_space<vmem>>, vector<16xf32>,
        tpu.vector_store %arg8[%swap3A_193], %gather3A_190 {strides = array<i32>} : memref<4096xf32, #tpu.memory_space<vmem>>, vector<16xf32>,
        %add3A_195 = arith.constant 144 : i32
        %add3A_196 = arith.addi %add3A_117, %add3A_195 : i32
        %get3A_197 = arith.index_cast %add3A_196 : i32 to index
        %get3A_198 = tpu.vector_load %arg6[%get3A_197] {strides = array<i32>} : memref<16384xi32, #tpu.memory_space<vmem>>, vector<16xi32>,
        %gather3A_199 = tpu.vector_load_idx %arg5[%get3A_198] : memref<100000xf32, #tpu.memory_space<vmem>>[vector<16xi32>], vector<16xf32>,
        %sub3A_200 = arith.constant 4096 : i32
        %sub3A_201 = arith.subi %add3A_196, %sub3A_200 : i32
        %swap3A_202 = arith.index_cast %sub3A_201 : i32 to index
        %swap3A_203 = tpu.vector_load %arg8[%swap3A_202] {strides = array<i32>} : memref<4096xf32, #tpu.memory_space<vmem>>, vector<16xf32>,
        tpu.vector_store %arg8[%swap3A_202], %gather3A_199 {strides = array<i32>} : memref<4096xf32, #tpu.memory_space<vmem>>, vector<16xf32>,
        %add3A_204 = arith.constant 160 : i32
        %add3A_205 = arith.addi %add3A_117, %add3A_204 : i32
        %get3A_206 = arith.index_cast %add3A_205 : i32 to index
        %get3A_207 = tpu.vector_load %arg6[%get3A_206] {strides = array<i32>} : memref<16384xi32, #tpu.memory_space<vmem>>, vector<16xi32>,
        %gather3A_208 = tpu.vector_load_idx %arg5[%get3A_207] : memref<100000xf32, #tpu.memory_space<vmem>>[vector<16xi32>], vector<16xf32>,
        %sub3A_209 = arith.constant 4096 : i32
        %sub3A_210 = arith.subi %add3A_205, %sub3A_209 : i32
        %swap3A_211 = arith.index_cast %sub3A_210 : i32 to index
        %swap3A_212 = tpu.vector_load %arg8[%swap3A_211] {strides = array<i32>} : memref<4096xf32, #tpu.memory_space<vmem>>, vector<16xf32>,
        tpu.vector_store %arg8[%swap3A_211], %gather3A_208 {strides = array<i32>} : memref<4096xf32, #tpu.memory_space<vmem>>, vector<16xf32>,
        %add3A_213 = arith.constant 176 : i32
        %add3A_214 = arith.addi %add3A_117, %add3A_213 : i32
        %get3A_215 = arith.index_cast %add3A_214 : i32 to index
        %get3A_216 = tpu.vector_load %arg6[%get3A_215] {strides = array<i32>} : memref<16384xi32, #tpu.memory_space<vmem>>, vector<16xi32>,
        %gather3A_217 = tpu.vector_load_idx %arg5[%get3A_216] : memref<100000xf32, #tpu.memory_space<vmem>>[vector<16xi32>], vector<16xf32>,
        %sub3A_218 = arith.constant 4096 : i32
        %sub3A_219 = arith.subi %add3A_214, %sub3A_218 : i32
        %swap3A_220 = arith.index_cast %sub3A_219 : i32 to index
        %swap3A_221 = tpu.vector_load %arg8[%swap3A_220] {strides = array<i32>} : memref<4096xf32, #tpu.memory_space<vmem>>, vector<16xf32>,
        tpu.vector_store %arg8[%swap3A_220], %gather3A_217 {strides = array<i32>} : memref<4096xf32, #tpu.memory_space<vmem>>, vector<16xf32>,
        %add3A_222 = arith.constant 192 : i32
        %add3A_223 = arith.addi %add3A_117, %add3A_222 : i32
        %get3A_224 = arith.index_cast %add3A_223 : i32 to index
        %get3A_225 = tpu.vector_load %arg6[%get3A_224] {strides = array<i32>} : memref<16384xi32, #tpu.memory_space<vmem>>, vector<16xi32>,
        %gather3A_226 = tpu.vector_load_idx %arg5[%get3A_225] : memref<100000xf32, #tpu.memory_space<vmem>>[vector<16xi32>], vector<16xf32>,
        %sub3A_227 = arith.constant 4096 : i32
        %sub3A_228 = arith.subi %add3A_223, %sub3A_227 : i32
        %swap3A_229 = arith.index_cast %sub3A_228 : i32 to index
        %swap3A_230 = tpu.vector_load %arg8[%swap3A_229] {strides = array<i32>} : memref<4096xf32, #tpu.memory_space<vmem>>, vector<16xf32>,
        tpu.vector_store %arg8[%swap3A_229], %gather3A_226 {strides = array<i32>} : memref<4096xf32, #tpu.memory_space<vmem>>, vector<16xf32>,
        %add3A_231 = arith.constant 208 : i32
        %add3A_232 = arith.addi %add3A_117, %add3A_231 : i32
        %get3A_233 = arith.index_cast %add3A_232 : i32 to index
        %get3A_234 = tpu.vector_load %arg6[%get3A_233] {strides = array<i32>} : memref<16384xi32, #tpu.memory_space<vmem>>, vector<16xi32>,
        %gather3A_235 = tpu.vector_load_idx %arg5[%get3A_234] : memref<100000xf32, #tpu.memory_space<vmem>>[vector<16xi32>], vector<16xf32>,
        %sub3A_236 = arith.constant 4096 : i32
        %sub3A_237 = arith.subi %add3A_232, %sub3A_236 : i32
        %swap3A_238 = arith.index_cast %sub3A_237 : i32 to index
        %swap3A_239 = tpu.vector_load %arg8[%swap3A_238] {strides = array<i32>} : memref<4096xf32, #tpu.memory_space<vmem>>, vector<16xf32>,
        tpu.vector_store %arg8[%swap3A_238], %gather3A_235 {strides = array<i32>} : memref<4096xf32, #tpu.memory_space<vmem>>, vector<16xf32>,
        %add3A_240 = arith.constant 224 : i32
        %add3A_241 = arith.addi %add3A_117, %add3A_240 : i32
        %get3A_242 = arith.index_cast %add3A_241 : i32 to index
        %get3A_243 = tpu.vector_load %arg6[%get3A_242] {strides = array<i32>} : memref<16384xi32, #tpu.memory_space<vmem>>, vector<16xi32>,
        %gather3A_244 = tpu.vector_load_idx %arg5[%get3A_243] : memref<100000xf32, #tpu.memory_space<vmem>>[vector<16xi32>], vector<16xf32>,
        %sub3A_245 = arith.constant 4096 : i32
        %sub3A_246 = arith.subi %add3A_241, %sub3A_245 : i32
        %swap3A_247 = arith.index_cast %sub3A_246 : i32 to index
        %swap3A_248 = tpu.vector_load %arg8[%swap3A_247] {strides = array<i32>} : memref<4096xf32, #tpu.memory_space<vmem>>, vector<16xf32>,
        tpu.vector_store %arg8[%swap3A_247], %gather3A_244 {strides = array<i32>} : memref<4096xf32, #tpu.memory_space<vmem>>, vector<16xf32>,
        %add3A_249 = arith.constant 240 : i32
        %add3A_250 = arith.addi %add3A_117, %add3A_249 : i32
        %get3A_251 = arith.index_cast %add3A_250 : i32 to index
        %get3A_252 = tpu.vector_load %arg6[%get3A_251] {strides = array<i32>} : memref<16384xi32, #tpu.memory_space<vmem>>, vector<16xi32>,
        %gather3A_253 = tpu.vector_load_idx %arg5[%get3A_252] : memref<100000xf32, #tpu.memory_space<vmem>>[vector<16xi32>], vector<16xf32>,
        %sub3A_254 = arith.constant 4096 : i32
        %sub3A_255 = arith.subi %add3A_250, %sub3A_254 : i32
        %swap3A_256 = arith.index_cast %sub3A_255 : i32 to index
        %swap3A_257 = tpu.vector_load %arg8[%swap3A_256] {strides = array<i32>} : memref<4096xf32, #tpu.memory_space<vmem>>, vector<16xf32>,
        tpu.vector_store %arg8[%swap3A_256], %gather3A_253 {strides = array<i32>} : memref<4096xf32, #tpu.memory_space<vmem>>, vector<16xf32>,
        %scan3A_258 = arith.constant 0 : i32
        scf.yield %scan3A_258 : i32
      }
      %scan3A_54 = arith.constant 16 : i32
      %dma_start3A_55 = arith.constant 4096 : i32
      %dma_start3A_56 = tpu.memref_slice %arg4[%add3A_14, %dma_start3A_55] : memref<416x16384xf32, #tpu.memory_space<hbm>> -> memref<1x4096xf32, #tpu.memory_space<hbm>>
      %dma_start3A_57 = tpu.memref_squeeze %dma_start3A_56 : memref<1x4096xf32, #tpu.memory_space<hbm>> -> memref<4096xf32, #tpu.memory_space<hbm>>
      %dma_start3A_58 = arith.constant 4096 : i32
      %dma_start3A_59 = tpu.memref_slice %arg4[%add3A_14, %dma_start3A_58] : memref<416x16384xf32, #tpu.memory_space<hbm>> -> memref<1x4096xf32, #tpu.memory_space<hbm>>
      %dma_start3A_60 = tpu.memref_squeeze %dma_start3A_59 : memref<1x4096xf32, #tpu.memory_space<hbm>> -> memref<4096xf32, #tpu.memory_space<hbm>>
      tpu.enqueue_dma source(%arg8 : memref<4096xf32, #tpu.memory_space<vmem>>) target(%dma_start3A_60 : memref<4096xf32, #tpu.memory_space<hbm>>) target_semaphore(%arg12 : memref<!tpu.dma_semaphore, #tpu.memory_space<semaphore_mem>>)
      %dma_wait3A_61 = arith.constant 0 : i32
      %dma_wait3A_62 = tpu.memref_slice %arg4[%add3A_14, %dma_wait3A_61] : memref<416x16384xf32, #tpu.memory_space<hbm>> -> memref<1x4096xf32, #tpu.memory_space<hbm>>
      %dma_wait3A_63 = tpu.memref_squeeze %dma_wait3A_62 : memref<1x4096xf32, #tpu.memory_space<hbm>> -> memref<4096xf32, #tpu.memory_space<hbm>>
      %dma_wait3A_64 = arith.constant 0 : i32
      %dma_wait3A_65 = tpu.memref_slice %arg4[%add3A_14, %dma_wait3A_64] : memref<416x16384xf32, #tpu.memory_space<hbm>> -> memref<1x4096xf32, #tpu.memory_space<hbm>>
      %dma_wait3A_66 = tpu.memref_squeeze %dma_wait3A_65 : memref<1x4096xf32, #tpu.memory_space<hbm>> -> memref<4096xf32, #tpu.memory_space<hbm>>
      tpu.wait_dma2 semaphore(%arg11 : memref<!tpu.dma_semaphore, #tpu.memory_space<semaphore_mem>>) src(%arg7 : memref<4096xf32, #tpu.memory_space<vmem>>) dst(%dma_wait3A_66 : memref<4096xf32, #tpu.memory_space<hbm>>)
      %scan3A_67 = arith.constant 0 : i32
      %scan3A_68 = arith.constant 0 : i32
      %scan3A_69 = arith.constant 16 : i32
      %scan3A_70 = arith.addi %scan3A_68, %scan3A_69 : i32
      %scan3A_71 = arith.constant 1 : i32
      %scan3A_72 = scf.for %scan3A_112 = %scan3A_68 to %scan3A_70 step %scan3A_71 iter_args(%scan3A_113 = %scan3A_67) -> (i32)  : i32 {
        %mul3A_114 = arith.constant 256 : i32
        %mul3A_115 = arith.muli %scan3A_112, %mul3A_114 : i32
        %add3A_116 = arith.constant 8192 : i32
        %add3A_117 = arith.addi %add3A_116, %mul3A_115 : i32
        %add3A_118 = arith.constant 0 : i32
        %add3A_119 = arith.addi %add3A_117, %add3A_118 : i32
        %get3A = arith.index_cast %add3A_119 : i32 to index
        %get3A_120 = tpu.vector_load %arg6[%get3A] {strides = array<i32>} : memref<16384xi32, #tpu.memory_space<vmem>>, vector<16xi32>,
        %gather3A = tpu.vector_load_idx %arg5[%get3A_120] : memref<100000xf32, #tpu.memory_space<vmem>>[vector<16xi32>], vector<16xf32>,
        %sub3A = arith.constant 8192 : i32
        %sub3A_121 = arith.subi %add3A_119, %sub3A : i32
        %swap3A = arith.index_cast %sub3A_121 : i32 to index
        %swap3A_122 = tpu.vector_load %arg7[%swap3A] {strides = array<i32>} : memref<4096xf32, #tpu.memory_space<vmem>>, vector<16xf32>,
        tpu.vector_store %arg7[%swap3A], %gather3A {strides = array<i32>} : memref<4096xf32, #tpu.memory_space<vmem>>, vector<16xf32>,
        %add3A_123 = arith.constant 16 : i32
        %add3A_124 = arith.addi %add3A_117, %add3A_123 : i32
        %get3A_125 = arith.index_cast %add3A_124 : i32 to index
        %get3A_126 = tpu.vector_load %arg6[%get3A_125] {strides = array<i32>} : memref<16384xi32, #tpu.memory_space<vmem>>, vector<16xi32>,
        %gather3A_127 = tpu.vector_load_idx %arg5[%get3A_126] : memref<100000xf32, #tpu.memory_space<vmem>>[vector<16xi32>], vector<16xf32>,
        %sub3A_128 = arith.constant 8192 : i32
        %sub3A_129 = arith.subi %add3A_124, %sub3A_128 : i32
        %swap3A_130 = arith.index_cast %sub3A_129 : i32 to index
        %swap3A_131 = tpu.vector_load %arg7[%swap3A_130] {strides = array<i32>} : memref<4096xf32, #tpu.memory_space<vmem>>, vector<16xf32>,
        tpu.vector_store %arg7[%swap3A_130], %gather3A_127 {strides = array<i32>} : memref<4096xf32, #tpu.memory_space<vmem>>, vector<16xf32>,
        %add3A_132 = arith.constant 32 : i32
        %add3A_133 = arith.addi %add3A_117, %add3A_132 : i32
        %get3A_134 = arith.index_cast %add3A_133 : i32 to index
        %get3A_135 = tpu.vector_load %arg6[%get3A_134] {strides = array<i32>} : memref<16384xi32, #tpu.memory_space<vmem>>, vector<16xi32>,
        %gather3A_136 = tpu.vector_load_idx %arg5[%get3A_135] : memref<100000xf32, #tpu.memory_space<vmem>>[vector<16xi32>], vector<16xf32>,
        %sub3A_137 = arith.constant 8192 : i32
        %sub3A_138 = arith.subi %add3A_133, %sub3A_137 : i32
        %swap3A_139 = arith.index_cast %sub3A_138 : i32 to index
        %swap3A_140 = tpu.vector_load %arg7[%swap3A_139] {strides = array<i32>} : memref<4096xf32, #tpu.memory_space<vmem>>, vector<16xf32>,
        tpu.vector_store %arg7[%swap3A_139], %gather3A_136 {strides = array<i32>} : memref<4096xf32, #tpu.memory_space<vmem>>, vector<16xf32>,
        %add3A_141 = arith.constant 48 : i32
        %add3A_142 = arith.addi %add3A_117, %add3A_141 : i32
        %get3A_143 = arith.index_cast %add3A_142 : i32 to index
        %get3A_144 = tpu.vector_load %arg6[%get3A_143] {strides = array<i32>} : memref<16384xi32, #tpu.memory_space<vmem>>, vector<16xi32>,
        %gather3A_145 = tpu.vector_load_idx %arg5[%get3A_144] : memref<100000xf32, #tpu.memory_space<vmem>>[vector<16xi32>], vector<16xf32>,
        %sub3A_146 = arith.constant 8192 : i32
        %sub3A_147 = arith.subi %add3A_142, %sub3A_146 : i32
        %swap3A_148 = arith.index_cast %sub3A_147 : i32 to index
        %swap3A_149 = tpu.vector_load %arg7[%swap3A_148] {strides = array<i32>} : memref<4096xf32, #tpu.memory_space<vmem>>, vector<16xf32>,
        tpu.vector_store %arg7[%swap3A_148], %gather3A_145 {strides = array<i32>} : memref<4096xf32, #tpu.memory_space<vmem>>, vector<16xf32>,
        %add3A_150 = arith.constant 64 : i32
        %add3A_151 = arith.addi %add3A_117, %add3A_150 : i32
        %get3A_152 = arith.index_cast %add3A_151 : i32 to index
        %get3A_153 = tpu.vector_load %arg6[%get3A_152] {strides = array<i32>} : memref<16384xi32, #tpu.memory_space<vmem>>, vector<16xi32>,
        %gather3A_154 = tpu.vector_load_idx %arg5[%get3A_153] : memref<100000xf32, #tpu.memory_space<vmem>>[vector<16xi32>], vector<16xf32>,
        %sub3A_155 = arith.constant 8192 : i32
        %sub3A_156 = arith.subi %add3A_151, %sub3A_155 : i32
        %swap3A_157 = arith.index_cast %sub3A_156 : i32 to index
        %swap3A_158 = tpu.vector_load %arg7[%swap3A_157] {strides = array<i32>} : memref<4096xf32, #tpu.memory_space<vmem>>, vector<16xf32>,
        tpu.vector_store %arg7[%swap3A_157], %gather3A_154 {strides = array<i32>} : memref<4096xf32, #tpu.memory_space<vmem>>, vector<16xf32>,
        %add3A_159 = arith.constant 80 : i32
        %add3A_160 = arith.addi %add3A_117, %add3A_159 : i32
        %get3A_161 = arith.index_cast %add3A_160 : i32 to index
        %get3A_162 = tpu.vector_load %arg6[%get3A_161] {strides = array<i32>} : memref<16384xi32, #tpu.memory_space<vmem>>, vector<16xi32>,
        %gather3A_163 = tpu.vector_load_idx %arg5[%get3A_162] : memref<100000xf32, #tpu.memory_space<vmem>>[vector<16xi32>], vector<16xf32>,
        %sub3A_164 = arith.constant 8192 : i32
        %sub3A_165 = arith.subi %add3A_160, %sub3A_164 : i32
        %swap3A_166 = arith.index_cast %sub3A_165 : i32 to index
        %swap3A_167 = tpu.vector_load %arg7[%swap3A_166] {strides = array<i32>} : memref<4096xf32, #tpu.memory_space<vmem>>, vector<16xf32>,
        tpu.vector_store %arg7[%swap3A_166], %gather3A_163 {strides = array<i32>} : memref<4096xf32, #tpu.memory_space<vmem>>, vector<16xf32>,
        %add3A_168 = arith.constant 96 : i32
        %add3A_169 = arith.addi %add3A_117, %add3A_168 : i32
        %get3A_170 = arith.index_cast %add3A_169 : i32 to index
        %get3A_171 = tpu.vector_load %arg6[%get3A_170] {strides = array<i32>} : memref<16384xi32, #tpu.memory_space<vmem>>, vector<16xi32>,
        %gather3A_172 = tpu.vector_load_idx %arg5[%get3A_171] : memref<100000xf32, #tpu.memory_space<vmem>>[vector<16xi32>], vector<16xf32>,
        %sub3A_173 = arith.constant 8192 : i32
        %sub3A_174 = arith.subi %add3A_169, %sub3A_173 : i32
        %swap3A_175 = arith.index_cast %sub3A_174 : i32 to index
        %swap3A_176 = tpu.vector_load %arg7[%swap3A_175] {strides = array<i32>} : memref<4096xf32, #tpu.memory_space<vmem>>, vector<16xf32>,
        tpu.vector_store %arg7[%swap3A_175], %gather3A_172 {strides = array<i32>} : memref<4096xf32, #tpu.memory_space<vmem>>, vector<16xf32>,
        %add3A_177 = arith.constant 112 : i32
        %add3A_178 = arith.addi %add3A_117, %add3A_177 : i32
        %get3A_179 = arith.index_cast %add3A_178 : i32 to index
        %get3A_180 = tpu.vector_load %arg6[%get3A_179] {strides = array<i32>} : memref<16384xi32, #tpu.memory_space<vmem>>, vector<16xi32>,
        %gather3A_181 = tpu.vector_load_idx %arg5[%get3A_180] : memref<100000xf32, #tpu.memory_space<vmem>>[vector<16xi32>], vector<16xf32>,
        %sub3A_182 = arith.constant 8192 : i32
        %sub3A_183 = arith.subi %add3A_178, %sub3A_182 : i32
        %swap3A_184 = arith.index_cast %sub3A_183 : i32 to index
        %swap3A_185 = tpu.vector_load %arg7[%swap3A_184] {strides = array<i32>} : memref<4096xf32, #tpu.memory_space<vmem>>, vector<16xf32>,
        tpu.vector_store %arg7[%swap3A_184], %gather3A_181 {strides = array<i32>} : memref<4096xf32, #tpu.memory_space<vmem>>, vector<16xf32>,
        %add3A_186 = arith.constant 128 : i32
        %add3A_187 = arith.addi %add3A_117, %add3A_186 : i32
        %get3A_188 = arith.index_cast %add3A_187 : i32 to index
        %get3A_189 = tpu.vector_load %arg6[%get3A_188] {strides = array<i32>} : memref<16384xi32, #tpu.memory_space<vmem>>, vector<16xi32>,
        %gather3A_190 = tpu.vector_load_idx %arg5[%get3A_189] : memref<100000xf32, #tpu.memory_space<vmem>>[vector<16xi32>], vector<16xf32>,
        %sub3A_191 = arith.constant 8192 : i32
        %sub3A_192 = arith.subi %add3A_187, %sub3A_191 : i32
        %swap3A_193 = arith.index_cast %sub3A_192 : i32 to index
        %swap3A_194 = tpu.vector_load %arg7[%swap3A_193] {strides = array<i32>} : memref<4096xf32, #tpu.memory_space<vmem>>, vector<16xf32>,
        tpu.vector_store %arg7[%swap3A_193], %gather3A_190 {strides = array<i32>} : memref<4096xf32, #tpu.memory_space<vmem>>, vector<16xf32>,
        %add3A_195 = arith.constant 144 : i32
        %add3A_196 = arith.addi %add3A_117, %add3A_195 : i32
        %get3A_197 = arith.index_cast %add3A_196 : i32 to index
        %get3A_198 = tpu.vector_load %arg6[%get3A_197] {strides = array<i32>} : memref<16384xi32, #tpu.memory_space<vmem>>, vector<16xi32>,
        %gather3A_199 = tpu.vector_load_idx %arg5[%get3A_198] : memref<100000xf32, #tpu.memory_space<vmem>>[vector<16xi32>], vector<16xf32>,
        %sub3A_200 = arith.constant 8192 : i32
        %sub3A_201 = arith.subi %add3A_196, %sub3A_200 : i32
        %swap3A_202 = arith.index_cast %sub3A_201 : i32 to index
        %swap3A_203 = tpu.vector_load %arg7[%swap3A_202] {strides = array<i32>} : memref<4096xf32, #tpu.memory_space<vmem>>, vector<16xf32>,
        tpu.vector_store %arg7[%swap3A_202], %gather3A_199 {strides = array<i32>} : memref<4096xf32, #tpu.memory_space<vmem>>, vector<16xf32>,
        %add3A_204 = arith.constant 160 : i32
        %add3A_205 = arith.addi %add3A_117, %add3A_204 : i32
        %get3A_206 = arith.index_cast %add3A_205 : i32 to index
        %get3A_207 = tpu.vector_load %arg6[%get3A_206] {strides = array<i32>} : memref<16384xi32, #tpu.memory_space<vmem>>, vector<16xi32>,
        %gather3A_208 = tpu.vector_load_idx %arg5[%get3A_207] : memref<100000xf32, #tpu.memory_space<vmem>>[vector<16xi32>], vector<16xf32>,
        %sub3A_209 = arith.constant 8192 : i32
        %sub3A_210 = arith.subi %add3A_205, %sub3A_209 : i32
        %swap3A_211 = arith.index_cast %sub3A_210 : i32 to index
        %swap3A_212 = tpu.vector_load %arg7[%swap3A_211] {strides = array<i32>} : memref<4096xf32, #tpu.memory_space<vmem>>, vector<16xf32>,
        tpu.vector_store %arg7[%swap3A_211], %gather3A_208 {strides = array<i32>} : memref<4096xf32, #tpu.memory_space<vmem>>, vector<16xf32>,
        %add3A_213 = arith.constant 176 : i32
        %add3A_214 = arith.addi %add3A_117, %add3A_213 : i32
        %get3A_215 = arith.index_cast %add3A_214 : i32 to index
        %get3A_216 = tpu.vector_load %arg6[%get3A_215] {strides = array<i32>} : memref<16384xi32, #tpu.memory_space<vmem>>, vector<16xi32>,
        %gather3A_217 = tpu.vector_load_idx %arg5[%get3A_216] : memref<100000xf32, #tpu.memory_space<vmem>>[vector<16xi32>], vector<16xf32>,
        %sub3A_218 = arith.constant 8192 : i32
        %sub3A_219 = arith.subi %add3A_214, %sub3A_218 : i32
        %swap3A_220 = arith.index_cast %sub3A_219 : i32 to index
        %swap3A_221 = tpu.vector_load %arg7[%swap3A_220] {strides = array<i32>} : memref<4096xf32, #tpu.memory_space<vmem>>, vector<16xf32>,
        tpu.vector_store %arg7[%swap3A_220], %gather3A_217 {strides = array<i32>} : memref<4096xf32, #tpu.memory_space<vmem>>, vector<16xf32>,
        %add3A_222 = arith.constant 192 : i32
        %add3A_223 = arith.addi %add3A_117, %add3A_222 : i32
        %get3A_224 = arith.index_cast %add3A_223 : i32 to index
        %get3A_225 = tpu.vector_load %arg6[%get3A_224] {strides = array<i32>} : memref<16384xi32, #tpu.memory_space<vmem>>, vector<16xi32>,
        %gather3A_226 = tpu.vector_load_idx %arg5[%get3A_225] : memref<100000xf32, #tpu.memory_space<vmem>>[vector<16xi32>], vector<16xf32>,
        %sub3A_227 = arith.constant 8192 : i32
        %sub3A_228 = arith.subi %add3A_223, %sub3A_227 : i32
        %swap3A_229 = arith.index_cast %sub3A_228 : i32 to index
        %swap3A_230 = tpu.vector_load %arg7[%swap3A_229] {strides = array<i32>} : memref<4096xf32, #tpu.memory_space<vmem>>, vector<16xf32>,
        tpu.vector_store %arg7[%swap3A_229], %gather3A_226 {strides = array<i32>} : memref<4096xf32, #tpu.memory_space<vmem>>, vector<16xf32>,
        %add3A_231 = arith.constant 208 : i32
        %add3A_232 = arith.addi %add3A_117, %add3A_231 : i32
        %get3A_233 = arith.index_cast %add3A_232 : i32 to index
        %get3A_234 = tpu.vector_load %arg6[%get3A_233] {strides = array<i32>} : memref<16384xi32, #tpu.memory_space<vmem>>, vector<16xi32>,
        %gather3A_235 = tpu.vector_load_idx %arg5[%get3A_234] : memref<100000xf32, #tpu.memory_space<vmem>>[vector<16xi32>], vector<16xf32>,
        %sub3A_236 = arith.constant 8192 : i32
        %sub3A_237 = arith.subi %add3A_232, %sub3A_236 : i32
        %swap3A_238 = arith.index_cast %sub3A_237 : i32 to index
        %swap3A_239 = tpu.vector_load %arg7[%swap3A_238] {strides = array<i32>} : memref<4096xf32, #tpu.memory_space<vmem>>, vector<16xf32>,
        tpu.vector_store %arg7[%swap3A_238], %gather3A_235 {strides = array<i32>} : memref<4096xf32, #tpu.memory_space<vmem>>, vector<16xf32>,
        %add3A_240 = arith.constant 224 : i32
        %add3A_241 = arith.addi %add3A_117, %add3A_240 : i32
        %get3A_242 = arith.index_cast %add3A_241 : i32 to index
        %get3A_243 = tpu.vector_load %arg6[%get3A_242] {strides = array<i32>} : memref<16384xi32, #tpu.memory_space<vmem>>, vector<16xi32>,
        %gather3A_244 = tpu.vector_load_idx %arg5[%get3A_243] : memref<100000xf32, #tpu.memory_space<vmem>>[vector<16xi32>], vector<16xf32>,
        %sub3A_245 = arith.constant 8192 : i32
        %sub3A_246 = arith.subi %add3A_241, %sub3A_245 : i32
        %swap3A_247 = arith.index_cast %sub3A_246 : i32 to index
        %swap3A_248 = tpu.vector_load %arg7[%swap3A_247] {strides = array<i32>} : memref<4096xf32, #tpu.memory_space<vmem>>, vector<16xf32>,
        tpu.vector_store %arg7[%swap3A_247], %gather3A_244 {strides = array<i32>} : memref<4096xf32, #tpu.memory_space<vmem>>, vector<16xf32>,
        %add3A_249 = arith.constant 240 : i32
        %add3A_250 = arith.addi %add3A_117, %add3A_249 : i32
        %get3A_251 = arith.index_cast %add3A_250 : i32 to index
        %get3A_252 = tpu.vector_load %arg6[%get3A_251] {strides = array<i32>} : memref<16384xi32, #tpu.memory_space<vmem>>, vector<16xi32>,
        %gather3A_253 = tpu.vector_load_idx %arg5[%get3A_252] : memref<100000xf32, #tpu.memory_space<vmem>>[vector<16xi32>], vector<16xf32>,
        %sub3A_254 = arith.constant 8192 : i32
        %sub3A_255 = arith.subi %add3A_250, %sub3A_254 : i32
        %swap3A_256 = arith.index_cast %sub3A_255 : i32 to index
        %swap3A_257 = tpu.vector_load %arg7[%swap3A_256] {strides = array<i32>} : memref<4096xf32, #tpu.memory_space<vmem>>, vector<16xf32>,
        tpu.vector_store %arg7[%swap3A_256], %gather3A_253 {strides = array<i32>} : memref<4096xf32, #tpu.memory_space<vmem>>, vector<16xf32>,
        %scan3A_258 = arith.constant 0 : i32
        scf.yield %scan3A_258 : i32
      }
      %scan3A_73 = arith.constant 16 : i32
      %dma_start3A_74 = arith.constant 8192 : i32
      %dma_start3A_75 = tpu.memref_slice %arg4[%add3A_14, %dma_start3A_74] : memref<416x16384xf32, #tpu.memory_space<hbm>> -> memref<1x4096xf32, #tpu.memory_space<hbm>>
      %dma_start3A_76 = tpu.memref_squeeze %dma_start3A_75 : memref<1x4096xf32, #tpu.memory_space<hbm>> -> memref<4096xf32, #tpu.memory_space<hbm>>
      %dma_start3A_77 = arith.constant 8192 : i32
      %dma_start3A_78 = tpu.memref_slice %arg4[%add3A_14, %dma_start3A_77] : memref<416x16384xf32, #tpu.memory_space<hbm>> -> memref<1x4096xf32, #tpu.memory_space<hbm>>
      %dma_start3A_79 = tpu.memref_squeeze %dma_start3A_78 : memref<1x4096xf32, #tpu.memory_space<hbm>> -> memref<4096xf32, #tpu.memory_space<hbm>>
      tpu.enqueue_dma source(%arg7 : memref<4096xf32, #tpu.memory_space<vmem>>) target(%dma_start3A_79 : memref<4096xf32, #tpu.memory_space<hbm>>) target_semaphore(%arg11 : memref<!tpu.dma_semaphore, #tpu.memory_space<semaphore_mem>>)
      %dma_wait3A_80 = arith.constant 4096 : i32
      %dma_wait3A_81 = tpu.memref_slice %arg4[%add3A_14, %dma_wait3A_80] : memref<416x16384xf32, #tpu.memory_space<hbm>> -> memref<1x4096xf32, #tpu.memory_space<hbm>>
      %dma_wait3A_82 = tpu.memref_squeeze %dma_wait3A_81 : memref<1x4096xf32, #tpu.memory_space<hbm>> -> memref<4096xf32, #tpu.memory_space<hbm>>
      %dma_wait3A_83 = arith.constant 4096 : i32
      %dma_wait3A_84 = tpu.memref_slice %arg4[%add3A_14, %dma_wait3A_83] : memref<416x16384xf32, #tpu.memory_space<hbm>> -> memref<1x4096xf32, #tpu.memory_space<hbm>>
      %dma_wait3A_85 = tpu.memref_squeeze %dma_wait3A_84 : memref<1x4096xf32, #tpu.memory_space<hbm>> -> memref<4096xf32, #tpu.memory_space<hbm>>
      tpu.wait_dma2 semaphore(%arg12 : memref<!tpu.dma_semaphore, #tpu.memory_space<semaphore_mem>>) src(%arg8 : memref<4096xf32, #tpu.memory_space<vmem>>) dst(%dma_wait3A_85 : memref<4096xf32, #tpu.memory_space<hbm>>)
      %scan3A_86 = arith.constant 0 : i32
      %scan3A_87 = arith.constant 0 : i32
      %scan3A_88 = arith.constant 16 : i32
      %scan3A_89 = arith.addi %scan3A_87, %scan3A_88 : i32
      %scan3A_90 = arith.constant 1 : i32
      %scan3A_91 = scf.for %scan3A_112 = %scan3A_87 to %scan3A_89 step %scan3A_90 iter_args(%scan3A_113 = %scan3A_86) -> (i32)  : i32 {
        %mul3A_114 = arith.constant 256 : i32
        %mul3A_115 = arith.muli %scan3A_112, %mul3A_114 : i32
        %add3A_116 = arith.constant 12288 : i32
        %add3A_117 = arith.addi %add3A_116, %mul3A_115 : i32
        %add3A_118 = arith.constant 0 : i32
        %add3A_119 = arith.addi %add3A_117, %add3A_118 : i32
        %get3A = arith.index_cast %add3A_119 : i32 to index
        %get3A_120 = tpu.vector_load %arg6[%get3A] {strides = array<i32>} : memref<16384xi32, #tpu.memory_space<vmem>>, vector<16xi32>,
        %gather3A = tpu.vector_load_idx %arg5[%get3A_120] : memref<100000xf32, #tpu.memory_space<vmem>>[vector<16xi32>], vector<16xf32>,
        %sub3A = arith.constant 12288 : i32
        %sub3A_121 = arith.subi %add3A_119, %sub3A : i32
        %swap3A = arith.index_cast %sub3A_121 : i32 to index
        %swap3A_122 = tpu.vector_load %arg8[%swap3A] {strides = array<i32>} : memref<4096xf32, #tpu.memory_space<vmem>>, vector<16xf32>,
        tpu.vector_store %arg8[%swap3A], %gather3A {strides = array<i32>} : memref<4096xf32, #tpu.memory_space<vmem>>, vector<16xf32>,
        %add3A_123 = arith.constant 16 : i32
        %add3A_124 = arith.addi %add3A_117, %add3A_123 : i32
        %get3A_125 = arith.index_cast %add3A_124 : i32 to index
        %get3A_126 = tpu.vector_load %arg6[%get3A_125] {strides = array<i32>} : memref<16384xi32, #tpu.memory_space<vmem>>, vector<16xi32>,
        %gather3A_127 = tpu.vector_load_idx %arg5[%get3A_126] : memref<100000xf32, #tpu.memory_space<vmem>>[vector<16xi32>], vector<16xf32>,
        %sub3A_128 = arith.constant 12288 : i32
        %sub3A_129 = arith.subi %add3A_124, %sub3A_128 : i32
        %swap3A_130 = arith.index_cast %sub3A_129 : i32 to index
        %swap3A_131 = tpu.vector_load %arg8[%swap3A_130] {strides = array<i32>} : memref<4096xf32, #tpu.memory_space<vmem>>, vector<16xf32>,
        tpu.vector_store %arg8[%swap3A_130], %gather3A_127 {strides = array<i32>} : memref<4096xf32, #tpu.memory_space<vmem>>, vector<16xf32>,
        %add3A_132 = arith.constant 32 : i32
        %add3A_133 = arith.addi %add3A_117, %add3A_132 : i32
        %get3A_134 = arith.index_cast %add3A_133 : i32 to index
        %get3A_135 = tpu.vector_load %arg6[%get3A_134] {strides = array<i32>} : memref<16384xi32, #tpu.memory_space<vmem>>, vector<16xi32>,
        %gather3A_136 = tpu.vector_load_idx %arg5[%get3A_135] : memref<100000xf32, #tpu.memory_space<vmem>>[vector<16xi32>], vector<16xf32>,
        %sub3A_137 = arith.constant 12288 : i32
        %sub3A_138 = arith.subi %add3A_133, %sub3A_137 : i32
        %swap3A_139 = arith.index_cast %sub3A_138 : i32 to index
        %swap3A_140 = tpu.vector_load %arg8[%swap3A_139] {strides = array<i32>} : memref<4096xf32, #tpu.memory_space<vmem>>, vector<16xf32>,
        tpu.vector_store %arg8[%swap3A_139], %gather3A_136 {strides = array<i32>} : memref<4096xf32, #tpu.memory_space<vmem>>, vector<16xf32>,
        %add3A_141 = arith.constant 48 : i32
        %add3A_142 = arith.addi %add3A_117, %add3A_141 : i32
        %get3A_143 = arith.index_cast %add3A_142 : i32 to index
        %get3A_144 = tpu.vector_load %arg6[%get3A_143] {strides = array<i32>} : memref<16384xi32, #tpu.memory_space<vmem>>, vector<16xi32>,
        %gather3A_145 = tpu.vector_load_idx %arg5[%get3A_144] : memref<100000xf32, #tpu.memory_space<vmem>>[vector<16xi32>], vector<16xf32>,
        %sub3A_146 = arith.constant 12288 : i32
        %sub3A_147 = arith.subi %add3A_142, %sub3A_146 : i32
        %swap3A_148 = arith.index_cast %sub3A_147 : i32 to index
        %swap3A_149 = tpu.vector_load %arg8[%swap3A_148] {strides = array<i32>} : memref<4096xf32, #tpu.memory_space<vmem>>, vector<16xf32>,
        tpu.vector_store %arg8[%swap3A_148], %gather3A_145 {strides = array<i32>} : memref<4096xf32, #tpu.memory_space<vmem>>, vector<16xf32>,
        %add3A_150 = arith.constant 64 : i32
        %add3A_151 = arith.addi %add3A_117, %add3A_150 : i32
        %get3A_152 = arith.index_cast %add3A_151 : i32 to index
        %get3A_153 = tpu.vector_load %arg6[%get3A_152] {strides = array<i32>} : memref<16384xi32, #tpu.memory_space<vmem>>, vector<16xi32>,
        %gather3A_154 = tpu.vector_load_idx %arg5[%get3A_153] : memref<100000xf32, #tpu.memory_space<vmem>>[vector<16xi32>], vector<16xf32>,
        %sub3A_155 = arith.constant 12288 : i32
        %sub3A_156 = arith.subi %add3A_151, %sub3A_155 : i32
        %swap3A_157 = arith.index_cast %sub3A_156 : i32 to index
        %swap3A_158 = tpu.vector_load %arg8[%swap3A_157] {strides = array<i32>} : memref<4096xf32, #tpu.memory_space<vmem>>, vector<16xf32>,
        tpu.vector_store %arg8[%swap3A_157], %gather3A_154 {strides = array<i32>} : memref<4096xf32, #tpu.memory_space<vmem>>, vector<16xf32>,
        %add3A_159 = arith.constant 80 : i32
        %add3A_160 = arith.addi %add3A_117, %add3A_159 : i32
        %get3A_161 = arith.index_cast %add3A_160 : i32 to index
        %get3A_162 = tpu.vector_load %arg6[%get3A_161] {strides = array<i32>} : memref<16384xi32, #tpu.memory_space<vmem>>, vector<16xi32>,
        %gather3A_163 = tpu.vector_load_idx %arg5[%get3A_162] : memref<100000xf32, #tpu.memory_space<vmem>>[vector<16xi32>], vector<16xf32>,
        %sub3A_164 = arith.constant 12288 : i32
        %sub3A_165 = arith.subi %add3A_160, %sub3A_164 : i32
        %swap3A_166 = arith.index_cast %sub3A_165 : i32 to index
        %swap3A_167 = tpu.vector_load %arg8[%swap3A_166] {strides = array<i32>} : memref<4096xf32, #tpu.memory_space<vmem>>, vector<16xf32>,
        tpu.vector_store %arg8[%swap3A_166], %gather3A_163 {strides = array<i32>} : memref<4096xf32, #tpu.memory_space<vmem>>, vector<16xf32>,
        %add3A_168 = arith.constant 96 : i32
        %add3A_169 = arith.addi %add3A_117, %add3A_168 : i32
        %get3A_170 = arith.index_cast %add3A_169 : i32 to index
        %get3A_171 = tpu.vector_load %arg6[%get3A_170] {strides = array<i32>} : memref<16384xi32, #tpu.memory_space<vmem>>, vector<16xi32>,
        %gather3A_172 = tpu.vector_load_idx %arg5[%get3A_171] : memref<100000xf32, #tpu.memory_space<vmem>>[vector<16xi32>], vector<16xf32>,
        %sub3A_173 = arith.constant 12288 : i32
        %sub3A_174 = arith.subi %add3A_169, %sub3A_173 : i32
        %swap3A_175 = arith.index_cast %sub3A_174 : i32 to index
        %swap3A_176 = tpu.vector_load %arg8[%swap3A_175] {strides = array<i32>} : memref<4096xf32, #tpu.memory_space<vmem>>, vector<16xf32>,
        tpu.vector_store %arg8[%swap3A_175], %gather3A_172 {strides = array<i32>} : memref<4096xf32, #tpu.memory_space<vmem>>, vector<16xf32>,
        %add3A_177 = arith.constant 112 : i32
        %add3A_178 = arith.addi %add3A_117, %add3A_177 : i32
        %get3A_179 = arith.index_cast %add3A_178 : i32 to index
        %get3A_180 = tpu.vector_load %arg6[%get3A_179] {strides = array<i32>} : memref<16384xi32, #tpu.memory_space<vmem>>, vector<16xi32>,
        %gather3A_181 = tpu.vector_load_idx %arg5[%get3A_180] : memref<100000xf32, #tpu.memory_space<vmem>>[vector<16xi32>], vector<16xf32>,
        %sub3A_182 = arith.constant 12288 : i32
        %sub3A_183 = arith.subi %add3A_178, %sub3A_182 : i32
        %swap3A_184 = arith.index_cast %sub3A_183 : i32 to index
        %swap3A_185 = tpu.vector_load %arg8[%swap3A_184] {strides = array<i32>} : memref<4096xf32, #tpu.memory_space<vmem>>, vector<16xf32>,
        tpu.vector_store %arg8[%swap3A_184], %gather3A_181 {strides = array<i32>} : memref<4096xf32, #tpu.memory_space<vmem>>, vector<16xf32>,
        %add3A_186 = arith.constant 128 : i32
        %add3A_187 = arith.addi %add3A_117, %add3A_186 : i32
        %get3A_188 = arith.index_cast %add3A_187 : i32 to index
        %get3A_189 = tpu.vector_load %arg6[%get3A_188] {strides = array<i32>} : memref<16384xi32, #tpu.memory_space<vmem>>, vector<16xi32>,
        %gather3A_190 = tpu.vector_load_idx %arg5[%get3A_189] : memref<100000xf32, #tpu.memory_space<vmem>>[vector<16xi32>], vector<16xf32>,
        %sub3A_191 = arith.constant 12288 : i32
        %sub3A_192 = arith.subi %add3A_187, %sub3A_191 : i32
        %swap3A_193 = arith.index_cast %sub3A_192 : i32 to index
        %swap3A_194 = tpu.vector_load %arg8[%swap3A_193] {strides = array<i32>} : memref<4096xf32, #tpu.memory_space<vmem>>, vector<16xf32>,
        tpu.vector_store %arg8[%swap3A_193], %gather3A_190 {strides = array<i32>} : memref<4096xf32, #tpu.memory_space<vmem>>, vector<16xf32>,
        %add3A_195 = arith.constant 144 : i32
        %add3A_196 = arith.addi %add3A_117, %add3A_195 : i32
        %get3A_197 = arith.index_cast %add3A_196 : i32 to index
        %get3A_198 = tpu.vector_load %arg6[%get3A_197] {strides = array<i32>} : memref<16384xi32, #tpu.memory_space<vmem>>, vector<16xi32>,
        %gather3A_199 = tpu.vector_load_idx %arg5[%get3A_198] : memref<100000xf32, #tpu.memory_space<vmem>>[vector<16xi32>], vector<16xf32>,
        %sub3A_200 = arith.constant 12288 : i32
        %sub3A_201 = arith.subi %add3A_196, %sub3A_200 : i32
        %swap3A_202 = arith.index_cast %sub3A_201 : i32 to index
        %swap3A_203 = tpu.vector_load %arg8[%swap3A_202] {strides = array<i32>} : memref<4096xf32, #tpu.memory_space<vmem>>, vector<16xf32>,
        tpu.vector_store %arg8[%swap3A_202], %gather3A_199 {strides = array<i32>} : memref<4096xf32, #tpu.memory_space<vmem>>, vector<16xf32>,
        %add3A_204 = arith.constant 160 : i32
        %add3A_205 = arith.addi %add3A_117, %add3A_204 : i32
        %get3A_206 = arith.index_cast %add3A_205 : i32 to index
        %get3A_207 = tpu.vector_load %arg6[%get3A_206] {strides = array<i32>} : memref<16384xi32, #tpu.memory_space<vmem>>, vector<16xi32>,
        %gather3A_208 = tpu.vector_load_idx %arg5[%get3A_207] : memref<100000xf32, #tpu.memory_space<vmem>>[vector<16xi32>], vector<16xf32>,
        %sub3A_209 = arith.constant 12288 : i32
        %sub3A_210 = arith.subi %add3A_205, %sub3A_209 : i32
        %swap3A_211 = arith.index_cast %sub3A_210 : i32 to index
        %swap3A_212 = tpu.vector_load %arg8[%swap3A_211] {strides = array<i32>} : memref<4096xf32, #tpu.memory_space<vmem>>, vector<16xf32>,
        tpu.vector_store %arg8[%swap3A_211], %gather3A_208 {strides = array<i32>} : memref<4096xf32, #tpu.memory_space<vmem>>, vector<16xf32>,
        %add3A_213 = arith.constant 176 : i32
        %add3A_214 = arith.addi %add3A_117, %add3A_213 : i32
        %get3A_215 = arith.index_cast %add3A_214 : i32 to index
        %get3A_216 = tpu.vector_load %arg6[%get3A_215] {strides = array<i32>} : memref<16384xi32, #tpu.memory_space<vmem>>, vector<16xi32>,
        %gather3A_217 = tpu.vector_load_idx %arg5[%get3A_216] : memref<100000xf32, #tpu.memory_space<vmem>>[vector<16xi32>], vector<16xf32>,
        %sub3A_218 = arith.constant 12288 : i32
        %sub3A_219 = arith.subi %add3A_214, %sub3A_218 : i32
        %swap3A_220 = arith.index_cast %sub3A_219 : i32 to index
        %swap3A_221 = tpu.vector_load %arg8[%swap3A_220] {strides = array<i32>} : memref<4096xf32, #tpu.memory_space<vmem>>, vector<16xf32>,
        tpu.vector_store %arg8[%swap3A_220], %gather3A_217 {strides = array<i32>} : memref<4096xf32, #tpu.memory_space<vmem>>, vector<16xf32>,
        %add3A_222 = arith.constant 192 : i32
        %add3A_223 = arith.addi %add3A_117, %add3A_222 : i32
        %get3A_224 = arith.index_cast %add3A_223 : i32 to index
        %get3A_225 = tpu.vector_load %arg6[%get3A_224] {strides = array<i32>} : memref<16384xi32, #tpu.memory_space<vmem>>, vector<16xi32>,
        %gather3A_226 = tpu.vector_load_idx %arg5[%get3A_225] : memref<100000xf32, #tpu.memory_space<vmem>>[vector<16xi32>], vector<16xf32>,
        %sub3A_227 = arith.constant 12288 : i32
        %sub3A_228 = arith.subi %add3A_223, %sub3A_227 : i32
        %swap3A_229 = arith.index_cast %sub3A_228 : i32 to index
        %swap3A_230 = tpu.vector_load %arg8[%swap3A_229] {strides = array<i32>} : memref<4096xf32, #tpu.memory_space<vmem>>, vector<16xf32>,
        tpu.vector_store %arg8[%swap3A_229], %gather3A_226 {strides = array<i32>} : memref<4096xf32, #tpu.memory_space<vmem>>, vector<16xf32>,
        %add3A_231 = arith.constant 208 : i32
        %add3A_232 = arith.addi %add3A_117, %add3A_231 : i32
        %get3A_233 = arith.index_cast %add3A_232 : i32 to index
        %get3A_234 = tpu.vector_load %arg6[%get3A_233] {strides = array<i32>} : memref<16384xi32, #tpu.memory_space<vmem>>, vector<16xi32>,
        %gather3A_235 = tpu.vector_load_idx %arg5[%get3A_234] : memref<100000xf32, #tpu.memory_space<vmem>>[vector<16xi32>], vector<16xf32>,
        %sub3A_236 = arith.constant 12288 : i32
        %sub3A_237 = arith.subi %add3A_232, %sub3A_236 : i32
        %swap3A_238 = arith.index_cast %sub3A_237 : i32 to index
        %swap3A_239 = tpu.vector_load %arg8[%swap3A_238] {strides = array<i32>} : memref<4096xf32, #tpu.memory_space<vmem>>, vector<16xf32>,
        tpu.vector_store %arg8[%swap3A_238], %gather3A_235 {strides = array<i32>} : memref<4096xf32, #tpu.memory_space<vmem>>, vector<16xf32>,
        %add3A_240 = arith.constant 224 : i32
        %add3A_241 = arith.addi %add3A_117, %add3A_240 : i32
        %get3A_242 = arith.index_cast %add3A_241 : i32 to index
        %get3A_243 = tpu.vector_load %arg6[%get3A_242] {strides = array<i32>} : memref<16384xi32, #tpu.memory_space<vmem>>, vector<16xi32>,
        %gather3A_244 = tpu.vector_load_idx %arg5[%get3A_243] : memref<100000xf32, #tpu.memory_space<vmem>>[vector<16xi32>], vector<16xf32>,
        %sub3A_245 = arith.constant 12288 : i32
        %sub3A_246 = arith.subi %add3A_241, %sub3A_245 : i32
        %swap3A_247 = arith.index_cast %sub3A_246 : i32 to index
        %swap3A_248 = tpu.vector_load %arg8[%swap3A_247] {strides = array<i32>} : memref<4096xf32, #tpu.memory_space<vmem>>, vector<16xf32>,
        tpu.vector_store %arg8[%swap3A_247], %gather3A_244 {strides = array<i32>} : memref<4096xf32, #tpu.memory_space<vmem>>, vector<16xf32>,
        %add3A_249 = arith.constant 240 : i32
        %add3A_250 = arith.addi %add3A_117, %add3A_249 : i32
        %get3A_251 = arith.index_cast %add3A_250 : i32 to index
        %get3A_252 = tpu.vector_load %arg6[%get3A_251] {strides = array<i32>} : memref<16384xi32, #tpu.memory_space<vmem>>, vector<16xi32>,
        %gather3A_253 = tpu.vector_load_idx %arg5[%get3A_252] : memref<100000xf32, #tpu.memory_space<vmem>>[vector<16xi32>], vector<16xf32>,
        %sub3A_254 = arith.constant 12288 : i32
        %sub3A_255 = arith.subi %add3A_250, %sub3A_254 : i32
        %swap3A_256 = arith.index_cast %sub3A_255 : i32 to index
        %swap3A_257 = tpu.vector_load %arg8[%swap3A_256] {strides = array<i32>} : memref<4096xf32, #tpu.memory_space<vmem>>, vector<16xf32>,
        tpu.vector_store %arg8[%swap3A_256], %gather3A_253 {strides = array<i32>} : memref<4096xf32, #tpu.memory_space<vmem>>, vector<16xf32>,
        %scan3A_258 = arith.constant 0 : i32
        scf.yield %scan3A_258 : i32
      }
      %scan3A_92 = arith.constant 16 : i32
      %dma_start3A_93 = arith.constant 12288 : i32
      %dma_start3A_94 = tpu.memref_slice %arg4[%add3A_14, %dma_start3A_93] : memref<416x16384xf32, #tpu.memory_space<hbm>> -> memref<1x4096xf32, #tpu.memory_space<hbm>>
      %dma_start3A_95 = tpu.memref_squeeze %dma_start3A_94 : memref<1x4096xf32, #tpu.memory_space<hbm>> -> memref<4096xf32, #tpu.memory_space<hbm>>
      %dma_start3A_96 = arith.constant 12288 : i32
      %dma_start3A_97 = tpu.memref_slice %arg4[%add3A_14, %dma_start3A_96] : memref<416x16384xf32, #tpu.memory_space<hbm>> -> memref<1x4096xf32, #tpu.memory_space<hbm>>
      %dma_start3A_98 = tpu.memref_squeeze %dma_start3A_97 : memref<1x4096xf32, #tpu.memory_space<hbm>> -> memref<4096xf32, #tpu.memory_space<hbm>>
      tpu.enqueue_dma source(%arg8 : memref<4096xf32, #tpu.memory_space<vmem>>) target(%dma_start3A_98 : memref<4096xf32, #tpu.memory_space<hbm>>) target_semaphore(%arg12 : memref<!tpu.dma_semaphore, #tpu.memory_space<semaphore_mem>>)
      %dma_wait3A_99 = arith.constant 8192 : i32
      %dma_wait3A_100 = tpu.memref_slice %arg4[%add3A_14, %dma_wait3A_99] : memref<416x16384xf32, #tpu.memory_space<hbm>> -> memref<1x4096xf32, #tpu.memory_space<hbm>>
      %dma_wait3A_101 = tpu.memref_squeeze %dma_wait3A_100 : memref<1x4096xf32, #tpu.memory_space<hbm>> -> memref<4096xf32, #tpu.memory_space<hbm>>
      %dma_wait3A_102 = arith.constant 8192 : i32
      %dma_wait3A_103 = tpu.memref_slice %arg4[%add3A_14, %dma_wait3A_102] : memref<416x16384xf32, #tpu.memory_space<hbm>> -> memref<1x4096xf32, #tpu.memory_space<hbm>>
      %dma_wait3A_104 = tpu.memref_squeeze %dma_wait3A_103 : memref<1x4096xf32, #tpu.memory_space<hbm>> -> memref<4096xf32, #tpu.memory_space<hbm>>
      tpu.wait_dma2 semaphore(%arg11 : memref<!tpu.dma_semaphore, #tpu.memory_space<semaphore_mem>>) src(%arg7 : memref<4096xf32, #tpu.memory_space<vmem>>) dst(%dma_wait3A_104 : memref<4096xf32, #tpu.memory_space<hbm>>)
      %dma_wait3A_105 = arith.constant 12288 : i32
      %dma_wait3A_106 = tpu.memref_slice %arg4[%add3A_14, %dma_wait3A_105] : memref<416x16384xf32, #tpu.memory_space<hbm>> -> memref<1x4096xf32, #tpu.memory_space<hbm>>
      %dma_wait3A_107 = tpu.memref_squeeze %dma_wait3A_106 : memref<1x4096xf32, #tpu.memory_space<hbm>> -> memref<4096xf32, #tpu.memory_space<hbm>>
      %dma_wait3A_108 = arith.constant 12288 : i32
      %dma_wait3A_109 = tpu.memref_slice %arg4[%add3A_14, %dma_wait3A_108] : memref<416x16384xf32, #tpu.memory_space<hbm>> -> memref<1x4096xf32, #tpu.memory_space<hbm>>
      %dma_wait3A_110 = tpu.memref_squeeze %dma_wait3A_109 : memref<1x4096xf32, #tpu.memory_space<hbm>> -> memref<4096xf32, #tpu.memory_space<hbm>>
      tpu.wait_dma2 semaphore(%arg12 : memref<!tpu.dma_semaphore, #tpu.memory_space<semaphore_mem>>) src(%arg8 : memref<4096xf32, #tpu.memory_space<vmem>>) dst(%dma_wait3A_110 : memref<4096xf32, #tpu.memory_space<hbm>>)
      %scan3A_111 = arith.constant 0 : i32
      scf.yield %scan3A_111 : i32
    }
    %scan3A_9 = arith.constant 13 : i32
    return
  }
}

module attributes {stable_mosaic.version = 14 : i64} {
  func.func @_mlp_body(%arg0: i32, %arg1: memref<16x4096xf32, #tpu.memory_space<vmem>>, %arg2: memref<416x4096xf32, #tpu.memory_space<vmem>>, %arg3: memref<64x432xf32, #tpu.memory_space<vmem>>, %arg4: memref<64x1xf32, #tpu.memory_space<vmem>>, %arg5: memref<32x64xf32, #tpu.memory_space<vmem>>, %arg6: memref<32x1xf32, #tpu.memory_space<vmem>>, %arg7: memref<1x32xf32, #tpu.memory_space<vmem>>, %arg8: memref<1x1xf32, #tpu.memory_space<vmem>>, %arg9: memref<1x4096xf32, #tpu.memory_space<vmem>>) attributes {dimension_semantics = [#tpu.dimension_semantics<arbitrary>], iteration_bounds = array<i64: 4>, scalar_prefetch = 0 : i64, scratch_operands = 0 : i64, tpu.core_type = #tpu.core_type<tc>, window_params = [{transform_indices = @transform_0, window_bounds = array<i64: 16, 4096>}, {transform_indices = @transform_1, window_bounds = array<i64: 416, 4096>}, {pipeline_mode = #tpu.pipeline_mode<synchronous>, transform_indices = @transform_2, window_bounds = array<i64: 64, 432>}, {pipeline_mode = #tpu.pipeline_mode<synchronous>, transform_indices = @transform_3, window_bounds = array<i64: 64, 1>}, {pipeline_mode = #tpu.pipeline_mode<synchronous>, transform_indices = @transform_4, window_bounds = array<i64: 32, 64>}, {pipeline_mode = #tpu.pipeline_mode<synchronous>, transform_indices = @transform_5, window_bounds = array<i64: 32, 1>}, {pipeline_mode = #tpu.pipeline_mode<synchronous>, transform_indices = @transform_6, window_bounds = array<i64: 1, 32>}, {pipeline_mode = #tpu.pipeline_mode<synchronous>, transform_indices = @transform_7, window_bounds = array<i64: 1, 1>}, {transform_indices = @transform_8, window_bounds = array<i64: 1, 4096>}]} {
    %get3A = arith.constant 0 : index
    %get3A_0 = arith.constant 0 : index
    %get3A_1 = vector.load %arg3[%get3A, %get3A_0] : memref<64x432xf32, #tpu.memory_space<vmem>>, vector<64x16xf32>
    %get3A_2 = arith.constant 0 : index
    %get3A_3 = arith.constant 0 : index
    %get3A_4 = vector.load %arg1[%get3A_2, %get3A_3] : memref<16x4096xf32, #tpu.memory_space<vmem>>, vector<16x4096xf32>
    %dot_general3A = arith.constant dense<0.000000e+00> : vector<64x4096xf32>
    %dot_general3A_5 = tpu.matmul %get3A_1, %get3A_4, %dot_general3A {dimension_numbers = #tpu.dot_dimension_numbers<[1], [0], [0], [1], [0, 0, 1, 1], [], []>, transpose_lhs_hint = false} : vector<64x16xf32>, vector<16x4096xf32>, vector<64x4096xf32> -> vector<64x4096xf32>
    %get3A_6 = arith.constant 0 : index
    %get3A_7 = arith.constant 16 : index
    %get3A_8 = vector.load %arg3[%get3A_6, %get3A_7] : memref<64x432xf32, #tpu.memory_space<vmem>>, vector<64x416xf32>
    %get3A_9 = arith.constant 0 : index
    %get3A_10 = arith.constant 0 : index
    %get3A_11 = vector.load %arg2[%get3A_9, %get3A_10] : memref<416x4096xf32, #tpu.memory_space<vmem>>, vector<416x4096xf32>
    %dot_general3A_12 = arith.constant dense<0.000000e+00> : vector<64x4096xf32>
    %dot_general3A_13 = tpu.matmul %get3A_8, %get3A_11, %dot_general3A_12 {dimension_numbers = #tpu.dot_dimension_numbers<[1], [0], [0], [1], [0, 0, 1, 1], [], []>, transpose_lhs_hint = false} : vector<64x416xf32>, vector<416x4096xf32>, vector<64x4096xf32> -> vector<64x4096xf32>
    %add3A = arith.addf %dot_general3A_5, %dot_general3A_13 : vector<64x4096xf32>
    %get3A_14 = arith.constant 0 : index
    %get3A_15 = arith.constant 0 : index
    %get3A_16 = vector.load %arg4[%get3A_14, %get3A_15] : memref<64x1xf32, #tpu.memory_space<vmem>>, vector<64x1xf32>
    %add3A_17 = vector.broadcast %get3A_16 : vector<64x1xf32> to vector<64x4096xf32>
    %add3A_18 = arith.addf %add3A, %add3A_17 : vector<64x4096xf32>
    %max3A = arith.constant 0.000000e+00 : f32
    %max3A_19 = vector.broadcast %max3A : f32 to vector<64x4096xf32>
    %max3A_20 = arith.maximumf %add3A_18, %max3A_19 : vector<64x4096xf32>
    %get3A_21 = arith.constant 0 : index
    %get3A_22 = arith.constant 0 : index
    %get3A_23 = vector.load %arg5[%get3A_21, %get3A_22] : memref<32x64xf32, #tpu.memory_space<vmem>>, vector<32x64xf32>
    %dot_general3A_24 = arith.constant dense<0.000000e+00> : vector<32x4096xf32>
    %dot_general3A_25 = tpu.matmul %get3A_23, %max3A_20, %dot_general3A_24 {dimension_numbers = #tpu.dot_dimension_numbers<[1], [0], [0], [1], [0, 0, 1, 1], [], []>, transpose_lhs_hint = false} : vector<32x64xf32>, vector<64x4096xf32>, vector<32x4096xf32> -> vector<32x4096xf32>
    %get3A_26 = arith.constant 0 : index
    %get3A_27 = arith.constant 0 : index
    %get3A_28 = vector.load %arg6[%get3A_26, %get3A_27] : memref<32x1xf32, #tpu.memory_space<vmem>>, vector<32x1xf32>
    %add3A_29 = vector.broadcast %get3A_28 : vector<32x1xf32> to vector<32x4096xf32>
    %add3A_30 = arith.addf %dot_general3A_25, %add3A_29 : vector<32x4096xf32>
    %max3A_31 = arith.constant 0.000000e+00 : f32
    %max3A_32 = vector.broadcast %max3A_31 : f32 to vector<32x4096xf32>
    %max3A_33 = arith.maximumf %add3A_30, %max3A_32 : vector<32x4096xf32>
    %get3A_34 = arith.constant 0 : index
    %get3A_35 = arith.constant 0 : index
    %get3A_36 = vector.load %arg7[%get3A_34, %get3A_35] : memref<1x32xf32, #tpu.memory_space<vmem>>, vector<1x32xf32>
    %dot_general3A_37 = arith.constant dense<0.000000e+00> : vector<1x4096xf32>
    %dot_general3A_38 = tpu.matmul %get3A_36, %max3A_33, %dot_general3A_37 {dimension_numbers = #tpu.dot_dimension_numbers<[1], [0], [0], [1], [0, 0, 1, 1], [], []>, transpose_lhs_hint = false} : vector<1x32xf32>, vector<32x4096xf32>, vector<1x4096xf32> -> vector<1x4096xf32>
    %get3A_39 = arith.constant 0 : index
    %get3A_40 = arith.constant 0 : index
    %get3A_41 = vector.load %arg8[%get3A_39, %get3A_40] : memref<1x1xf32, #tpu.memory_space<vmem>>, vector<1x1xf32>
    %add3A_42 = vector.broadcast %get3A_41 : vector<1x1xf32> to vector<1x4096xf32>
    %add3A_43 = arith.addf %dot_general3A_38, %add3A_42 : vector<1x4096xf32>
    %swap3A = arith.constant 0 : index
    %swap3A_44 = arith.constant 0 : index
    %swap3A_45 = vector.load %arg9[%swap3A, %swap3A_44] : memref<1x4096xf32, #tpu.memory_space<vmem>>, vector<1x4096xf32>
    tpu.vector_store %arg9[%swap3A, %swap3A_44], %add3A_43 {strides = array<i32>} : memref<1x4096xf32, #tpu.memory_space<vmem>>, vector<1x4096xf32>,
    return
  }
  func.func @transform_0(%arg0: i32) -> (i32, i32) {
    %c0_i32 = arith.constant 0 : i32
    %c0_i32_0 = arith.constant 0 : i32
    return %c0_i32, %arg0 : i32, i32
  }
  func.func @transform_1(%arg0: i32) -> (i32, i32) {
    %c0_i32 = arith.constant 0 : i32
    %c0_i32_0 = arith.constant 0 : i32
    return %c0_i32, %arg0 : i32, i32
  }
  func.func @transform_2(%arg0: i32) -> (i32, i32) {
    %c0_i32 = arith.constant 0 : i32
    %c0_i32_0 = arith.constant 0 : i32
    %c0_i32_1 = arith.constant 0 : i32
    return %c0_i32, %c0_i32_0 : i32, i32
  }
  func.func @transform_3(%arg0: i32) -> (i32, i32) {
    %c0_i32 = arith.constant 0 : i32
    %c0_i32_0 = arith.constant 0 : i32
    %c0_i32_1 = arith.constant 0 : i32
    return %c0_i32, %c0_i32_0 : i32, i32
  }
  func.func @transform_4(%arg0: i32) -> (i32, i32) {
    %c0_i32 = arith.constant 0 : i32
    %c0_i32_0 = arith.constant 0 : i32
    %c0_i32_1 = arith.constant 0 : i32
    return %c0_i32, %c0_i32_0 : i32, i32
  }
  func.func @transform_5(%arg0: i32) -> (i32, i32) {
    %c0_i32 = arith.constant 0 : i32
    %c0_i32_0 = arith.constant 0 : i32
    %c0_i32_1 = arith.constant 0 : i32
    return %c0_i32, %c0_i32_0 : i32, i32
  }
  func.func @transform_6(%arg0: i32) -> (i32, i32) {
    %c0_i32 = arith.constant 0 : i32
    %c0_i32_0 = arith.constant 0 : i32
    %c0_i32_1 = arith.constant 0 : i32
    return %c0_i32, %c0_i32_0 : i32, i32
  }
  func.func @transform_7(%arg0: i32) -> (i32, i32) {
    %c0_i32 = arith.constant 0 : i32
    %c0_i32_0 = arith.constant 0 : i32
    %c0_i32_1 = arith.constant 0 : i32
    return %c0_i32, %c0_i32_0 : i32, i32
  }
  func.func @transform_8(%arg0: i32) -> (i32, i32) {
    %c0_i32 = arith.constant 0 : i32
    %c0_i32_0 = arith.constant 0 : i32
    return %c0_i32, %arg0 : i32, i32
  }
}

</mosaic_0001>

<sc_bundles>
// kernel: kernel.4.cloned.1.call-start
scs
__scs_entry_jumppad:
0x0: {  	(pc) =	sbr.rel $0x88, $3  }
0x1: {  	(tag) =	ssettag $0x0;
	lr =	simm.s32 $0x1  }
0x2: {  	[smem:$0x3F98] =	sst lr;
	_ =	strace $0xD0000000  }
0x3: {  	_ = 	snop  }
0x4: {  	_ = 	snop  }
0x5: {  	_ = 	snop  }
0x6: {  	_ = 	snop  }
0x7: {  	_ = 	snop  }
__scs_overlays_trampoline_lowered:
0x8: {  	[smem:$0x3FA7] =	sst s0  }
0x9: {  	[smem:$0x3FA8] =	sst s1  }
0xa: {  	[smem:$0x3FA9] =	sst s2  }
0xb: {  	[smem:$0x3FAA] =	sst s3  }
0xc: {  	[smem:$0x3FAB] =	sst s4  }
0xd: {  	[smem:$0x3FAC] =	sst s5  }
0xe: {  	[smem:$0x3FAD] =	sst s6  }
0xf: {  	[smem:$0x3FAE] =	sst s7  }
0x10: {  	[smem:$0x3FAF] =	sst s8  }
0x11: {  	[smem:$0x3FB0] =	sst s9;
	s0 =	simm.s32 @!p0 $0x0  }
0x12: {  	s1 =	sld [smem:$0x3F96];
	s0 =	simm.s32 @p0 $0x1  }
0x13: {  	[smem:$0x3FB1] =	sst s0;
	s0 =	simm.s32 @!p1 $0x0  }
0x14: {  	s2 =	sld [smem:$0x3F95];
	s0 =	simm.s32 @p1 $0x1  }
0x15: {  	[smem:$0x3FB2] =	sst s0;
	s0 =	simm.s32 @!p2 $0x0  }
0x16: {  	s3 =	sld [smem:$0x3FDB];
	s0 =	simm.s32 @p2 $0x1  }
0x17: {  	s4 =	simm.s32 $0x1BF5;
	[smem:$0x3FB4] =	sst s0  }
0x18: {  	s0 =	sld [smem:$0x3F97];
	_ =	swait.ge [sflag:s4], $0x0  }
0x19: {  	s7 =	sld [smem:$0x3F98]  }
0x1a: {  	s8 =	sadd.s32 $0xFFFFE003, lr  }
0x1b: {  	s9 =	sadd.s32 $0xFFFFFEF7, lr;
	s5 =	simm.s32 $0xFFFFFFFF;
	p2 =	slt.u32 s8, $0xFFFFF086  }
0x1c: {  	p1 =	slt.u32 s9, $0xF7A;
	s5 =	simm.s32 @!p2 $0x0  }
0x1d: {  	s5 =	simm.s32 @p1 $0x1;
	p0 =	seq.s32 s7, s2  }
0x1e: {  	s7 =	smul.u32 @!p0 $0xF7A, s2;
	p2 =	seq.s32 @!p0 s5, $0x0  }
0x1f: {  	s9 =	smul.u32 $0xF7A, s1;
	s8 =	simm.s32 @!p0 $0x1BF5;
	p2 =	por !p2, p0  }
0x20: {  	[sflag:s8] =	ssyncset.s32 @!p0 $0xFFFFF086;
	s6 =	sadd.s32 @!p0 s3, s7;
	s7 =	simm.s32 @!p0 $0x108  }
0x21: {  	s3 =	sadd.s32 s3, s9;
	s6 =	sadd.s32 @!p0 $0x88, s6;
	s7 =	simm.s32 @p2 $0x1082  }
0x22: {  	[simem:s7], [sflag:s8] =	dma.local @!p0 [hbm:s6], $0xF7A  }
0x23: {  	s9 =	sor.u32 $0xD0000000, s2;
	s6 =	simm.s32 $0x108;
	_ =	swait.ge @!p0 [sflag:s8], $0x0  }
0x24: {  	s3 =	sadd.s32 $0x88, s3;
	s6 =	simm.s32 @!p1 $0x1082;
	[sflag:s4] =	ssyncset.s32 $0xFFFFF086  }
0x25: {  	[simem:s6], [sflag:s4] =	dma.local [hbm:s3], $0xF7A  }
0x26: {  	[smem:$0x3F98] =	sst s1;
	(tag) =	ssettag s2;
	_ =	strace s9  }
0x27: {  	s1 =	sld [smem:$0x3FA8]  }
0x28: {  	s2 =	sld [smem:$0x3FA9]  }
0x29: {  	s4 =	sld [smem:$0x3FAB]  }
0x2a: {  	p0 =	seq.s32 s5, $0x0;
	s5 =	sld [smem:$0x3FAC]  }
0x2b: {  	s6 =	sld [smem:$0x3FAD]  }
0x2c: {  	s7 =	sld [smem:$0x3FAE]  }
0x2d: {  	s3 =	simm.s32 $0x108;
	s8 =	sld [smem:$0x3FAF]  }
0x2e: {  	s3 =	simm.s32 @!p0 $0x1082;
	s9 =	sld [smem:$0x3FB0]  }
0x2f: {  	lr =	sadd.s32 s0, s3;
	s0 =	sld [smem:$0x3FA7]  }
0x30: {  	s3 =	sld [smem:$0x3FAA]  }
0x31: {  	[smem:$0x3FB3] =	sst s10  }
0x32: {  	s10 =	sld [smem:$0x3FB1];
	_ =	sdelay $0x3  }
0x33: {  	p0 =	seq.s32 s10, $0x1;
	s10 =	sld [smem:$0x3FB3];
	_ =	sdelay $0x3  }
0x34: {  	[smem:$0x3FB3] =	sst s10  }
0x35: {  	s10 =	sld [smem:$0x3FB2];
	_ =	sdelay $0x3  }
0x36: {  	p1 =	seq.s32 s10, $0x1;
	s10 =	sld [smem:$0x3FB3];
	_ =	sdelay $0x3  }
0x37: {  	[smem:$0x3FB3] =	sst s10  }
0x38: {  	s10 =	sld [smem:$0x3FB4]  }
0x39: {  	_ = 	snop;
	(pc) =	sbr.ind lr, $3  }
0x3a: {  	_ = 	snop  }
0x3b: {  	_ = 	snop  }
0x3c: {  	p2 =	seq.s32 s10, $0x1;
	s10 =	sld [smem:$0x3FB3]  }
0x3d: {  	_ =	shalt  }
0x3e: {  	_ =	shalt  }
0x3f: {  	_ =	shalt  }
0x40: {  	_ =	shalt  }
0x41: {  	_ =	shalt  }
0x42: {  	_ =	shalt  }
0x43: {  	_ =	shalt  }
0x44: {  	_ =	shalt  }
0x45: {  	_ =	shalt  }
0x46: {  	_ =	shalt  }
0x47: {  	_ =	shalt  }
0x48: {  	_ =	shalt  }
0x49: {  	_ =	shalt  }
0x4a: {  	_ =	shalt  }
0x4b: {  	_ =	shalt  }
0x4c: {  	_ =	shalt  }
0x4d: {  	_ =	shalt  }
0x4e: {  	_ =	shalt  }
0x4f: {  	_ =	shalt  }
0x50: {  	_ =	shalt  }
0x51: {  	_ =	shalt  }
0x52: {  	_ =	shalt  }
0x53: {  	_ =	shalt  }
0x54: {  	_ =	shalt  }
0x55: {  	_ =	shalt  }
0x56: {  	_ =	shalt  }
0x57: {  	_ =	shalt  }
0x58: {  	_ =	shalt  }
0x59: {  	_ =	shalt  }
0x5a: {  	_ =	shalt  }
0x5b: {  	_ =	shalt  }
0x5c: {  	_ =	shalt  }
0x5d: {  	_ =	shalt  }
0x5e: {  	_ =	shalt  }
0x5f: {  	_ =	shalt  }
0x60: {  	_ =	shalt  }
0x61: {  	_ =	shalt  }
0x62: {  	_ =	shalt  }
0x63: {  	_ =	shalt  }
0x64: {  	_ =	shalt  }
0x65: {  	_ =	shalt  }
0x66: {  	_ =	shalt  }
0x67: {  	_ =	shalt  }
0x68: {  	_ =	shalt  }
0x69: {  	_ =	shalt  }
0x6a: {  	_ =	shalt  }
0x6b: {  	_ =	shalt  }
0x6c: {  	_ =	shalt  }
0x6d: {  	_ =	shalt  }
0x6e: {  	_ =	shalt  }
0x6f: {  	_ =	shalt  }
0x70: {  	_ =	shalt  }
0x71: {  	_ =	shalt  }
0x72: {  	_ =	shalt  }
0x73: {  	_ =	shalt  }
0x74: {  	_ =	shalt  }
0x75: {  	_ =	shalt  }
0x76: {  	_ =	shalt  }
0x77: {  	_ =	shalt  }
0x78: {  	_ =	shalt  }
0x79: {  	_ =	shalt  }
0x7a: {  	_ =	shalt  }
0x7b: {  	_ =	shalt  }
0x7c: {  	_ =	shalt  }
0x7d: {  	_ =	shalt  }
0x7e: {  	_ =	shalt  }
0x7f: {  	_ =	shalt  }
0x80: {  	_ =	shalt  }
0x81: {  	_ =	shalt  }
0x82: {  	_ =	shalt  }
0x83: {  	_ =	shalt  }
0x84: {  	_ =	shalt  }
0x85: {  	_ =	shalt  }
0x86: {  	_ =	shalt  }
0x87: {  	_ =	shalt  }
.Lfunc_end0:
.L_simem_size_0:
called_computation_lowered:
.L_overlay_start_0:
0x88: {  	s2 =	sld [smem:$0x3FD9]  }
0x89: {  	s3 =	sld [smem:$0x3FFE];
	_ =	sdelay $0x1  }
0x8a: {  	s1 =	srdreg.scid  }
0x8b: {  	s0 =	sand.u32 $0x1, s1  }
0x8c: {  	s17 =	sshll.u32 s0, $0xA;
	s2 =	sadd.s32 s3, s2  }
0x8d: {  	s2 =	sadd.s32 s2, s17  }
0x8e: {  	[smem:$0x3FBF] =	sst s2  }
0x8f: {  	_ = 	snop  }
0x90: {  	s2 =	sld [smem:$0x3FC8]  }
0x91: {  	s18 =	sld [smem:$0x3FC7];
	(tm) =	ssettm $0x1  }
0x92: {  	s4 =	sld [smem:$0x3FFB];
	_ =	sdelay $0x3  }
0x93: {  	_ =	strace s4  }
0x94: {  	s4 =	sld [smem:$0x3FFC];
	_ =	sdelay $0x3  }
0x95: {  	_ =	strace s4  }
0x96: {  	s4 =	sld [smem:$0x3FFD];
	_ =	sdelay $0x3  }
0x97: {  	_ =	strace s4  }
0x98: {  	_ =	strace $0x8FFFFFFF  }
0x99: {  	s19 =	sld [smem:$0x3FDB];
	_ =	sdelay $0x1  }
0x9a: {  	s5 =	simm.s32 $_scs_section_size  }
0x9b: {  	s6 =	simm.s32 $_size__tile_overlayer_lowered;
	s7 =	simm.s32 $_tile_overlayer_lowered  }
0x9c: {  	s22 =	simm.s32 $0x1BFF;
	s21 =	sshll.u32 s7, $0x1;
	s4 =	sadd.s32 s5, s19  }
0x9d: {  	s8 =	simm.s32 $0x0;
	s20 =	sshll.u32 s6, $0x1;
	s6 =	sadd.s32 s21, s4  }
0x9e: {  	[timem:s8], [sflag:s22] =	dma.local [hbm:s6], s20  }
0x9f: {  	_ =	swait.ge [sflag:s22], s20  }
0xa0: {  	s5 =	ssub.s32 $0x0, s20;
	[sflag:s22] =	ssyncset.done $0x0  }
0xa1: {  	[sflag:s22] =	ssyncadd.s32 s5;
	_ =	sdelay $0x1  }
0xa2: {  	s23 =	simm.s32 $0x1B8B  }
0xa3: {  	_ =	swait.ge [sflag:s23], $0x1  }
0xa4: {  	[sflag:s23] =	ssyncset.done $0x0  }
0xa5: {  	s25 =	simm.s32 $0x1B8E;
	s24 =	sld [smem:$0x3FFE];
	[sflag:s23] =	ssyncadd.s32 $0xFFFFFFFF  }
0xa6: {  	s26 =	simm.s32 $execute0_lowered;
	[smem:$0x3FD2] =	sst s25  }
0xa7: {  	s6 =	sshll.u32 s26, $0x1;
	_ =	strace $0x80000046;
	[dreg:$0x1] =	wrdreg $0xFFFFFFFF  }
0xa8: {  	s28 =	simm.s32 $_size_execute0_lowered;
	s4 =	sadd.s32 s4, s6;
	[dreg:$0x0] =	wrdreg $0x0  }
0xa9: {  	s6 =	sshll.u32 s28, $0x1;
	[dreg:$0x2] =	wrdreg s4  }
0xaa: {  	[dreg:$0x3] =	wrdreg s6  }
0xab: {  	[dreg:$0x4] =	wrdreg $0xC0  }
0xac: {  	_ =	task [dreg:s8], $0x5FFFF  }
0xad: {  	[dreg:$0x1] =	wrdreg $0xFFFFFFFF  }
0xae: {  	[dreg:$0x0] =	wrdreg $0x60  }
0xaf: {  	[dreg:$0x2] =	wrdreg s18  }
0xb0: {  	[dreg:$0x3] =	wrdreg s2  }
0xb1: {  	[dreg:$0x4] =	wrdreg s24  }
0xb2: {  	[dreg:$0x5] =	wrdreg $0x9  }
0xb3: {  	_ =	task.clear_ibuf [dreg:s8], $0x6FFFF;
	_ =	strace $0x90000046  }
0xb4: {  	s29 =	simm.s32 $0x9;
	_ =	strace $0x80000048  }
0xb5: {  	_ =	swait.ge [sflag:s29], $0x1  }
0xb6: {  	[sflag:s29] =	ssyncadd.s32 $0xFFFFFFFF  }
0xb7: {  	_ =	strace $0x90000048  }
0xb8: {  	_ =	sfence  }
0xb9: {  	s30 =	sld [smem:$0x0];
	_ =	sdelay $0x2  }
0xba: {  	s31 =	sshll.u32 s1, $0xD;
	s1 =	sshrl.u32 s1, $0x2  }
0xbb: {  	s3 =	sand.u32 $0x4000, s31;
	s1 =	sadd.s32 s1, s30  }
0xbc: {  	s0 =	sor.u32 s3, s0;
	s1 =	sshll.u32 s1, $0x11  }
0xbd: {  	s0 =	sor.u32 s1, s0  }
0xbe: {  	s0 =	sadd.s32 $0x8F2B, s0  }
0xbf: {  	[sflag:s0] =	ssyncadd.remote.s32 $0x1  }
0xc0: {  	_ =	sfence.sel $0xFFFF  }
0xc1: {  	[dreg:$0x0] =	wrdreg $0xFFFFFFFF;
	(pc) =	sbr.abs _section_cstart, $3  }
0xc2: {  	[dreg:$0x1] =	wrdreg $0xFFFFFFFF  }
0xc3: {  	_ =	task.clear_ibuf [dreg:s8], $0x2FFFF;
	_ =	strace $0x9FFFFFFF  }
0xc4: {  	(tm) =	ssettm $0x7FFFFFFF  }
0xc5: {  	_ =	shalt  }
tec
execute0_lowered:
.L_overlay_start_1:
0x0: {  	(tag) =	ssettag $0x1  }
0x1: {  	s1 =	rddreg [dreg:$0x0]  }
0x2: {  	s2 =	rddreg [dreg:$0x1]  }
0x3: {  	s9 =	rddreg [dreg:$0x2]  }
0x4: {  	s0 =	rddreg [dreg:$0x3];
	s4 =	simm.s32 $0x0;
	s5 =	srdreg.scid  }
0x5: {  	s3 =	stileid.u32;
	s12 =	simm.s32 $0x400;
	s13 =	simm.s32 $0x18700  }
0x6: {  	s14 =	simm.s32 $0x2;
	s15 =	simm.s32 $0x1;
	s16 =	simm.s32 $0x1C700  }
0x7: {  	s17 =	simm.s32 $0x1D700;
	s18 =	simm.s32 $0x3;
	s19 =	simm.s32 $0x4  }
0x8: {  	s20 =	simm.s32 $0x0;
	[smem:$0x7FF] =	sst s4;
	s6 =	sand.u32 $0x1, s5  }
0x9: {  	s8 =	sshll.u32 s3, $0x1;
	s5 =	sadd.s32 $0x1000, s9;
	s11 =	sand.u32 $0x1, s3  }
0xa: {  	_ =	strace $0x80000047;
	s7 =	ssub.s32 $0x2, s6;
	s6 =	sor.u32 s6, s8  }
0xb: {  	s8 =	sadd.s32 $0x3000, s9;
	p0 =	seq.s32 s11, $0x0;
	s10 =	sshrl.u32 s7, $0x1  }
0xc: {  	s11 =	simm.s32 $0x80;
	s6 =	smul.u32 $0xD, s6;
	s10 =	ssub.s32 s7, s10  }
0xd: {  	s7 =	sadd.s32 $0x2000, s9;
	s9 =	sadd.s32 $0x4000, s9;
	s10 =	smax.u32 s10, $0x1  }
.LBB2_1:
0xe: {  	_ =	sdelay @!p0 $0x7ff  }
0xf: {  	_ =	sdelay @!p0 $0x7ff  }
0x10: {  	_ =	sdelay @!p0 $0x7ff  }
0x11: {  	s21 =	simm.s32 $0x0;
	_ =	sdelay @!p0 $0x740  }
.LBB2_2:
0x12: {  	s24 =	sadd.s32 s6, s21  }
0x13: {  	s22 =	sshrl.u32 s24, $0x3  }
0x14: {  	s25 =	sshll.u32 s24, $0x7;
	s26 =	smul.u32 $0xC3800, s22  }
0x15: {  	s23 =	sand.u32 $0x380, s25  }
0x16: {  	s26 =	sor.u32 s23, s26  }
0x17: {  	s26 =	sshrl.u32 s26, $0x3  }
0x18: {  	s26 =	sadd.s32 s1, s26  }
0x19: {  	[tilespmem:s4], [sflag:$0x1] =	stream.strided.gather [hbm4b:s26+s11], $0x18700, s12, s11, $0x38;
	[tilespmem:$0x1E700] =	vst v63  }
0x1a: {  	p1 =	seq.s32 s21, $0x0;
	s26 =	sand.u32 $0xF, s24  }
0x1b: {  	p2 =	sne.s32 @!p1 s26, $0x0  }
0x1c: {  	p1 =	por p1, !p2  }
0x1d: {  	s24 =	sand.u32 @p1 $0x70, s24  }
0x1e: {  	s25 =	sand.u32 @p1 $0xFFFC000, s25;
	s24 =	sadd.s32 @p1 s2, s24  }
0x1f: {  	s24 =	sadd.s32 @p1 s25, s24  }
0x20: {  	[tilespmem:s13], [sflag:$0x2] =	stream.strided.gather @p1 [hbm4b:s24+s11], $0x4000, s12, s11, $0x38;
	[tilespmem:$0x1E700] =	vst v63  }
0x21: {  	_ =	swait.ge @p1 [sflag:s14], $0x4000  }
0x22: {  	[sflag:s14] =	ssyncset.done @p1 $0x0  }
0x23: {  	[sflag:s14] =	ssyncadd.s32 @p1 $0xFFFFC000  }
0x24: {  	_ =	swait.ge [sflag:s15], $0x18700  }
0x25: {  	[sflag:s15] =	ssyncset.done $0x0  }
0x26: {  	s24 =	simm.s32 $0x0;
	[sflag:s15] =	ssyncadd.s32 $0xFFFE7900  }
0x27: {  	v0 =	vld [tilespmem:s24+$0x18700];
	_ =	sdelay $0x5  }
0x28: {  	v1 =	vld [tilespmem:s24+$0x18710];
	_ =	sdelay $0x1  }
0x29: {  	v0 =	vld.idx.msk [tilespmem:v0+s4+$0x0], $0xffff;
	_ =	sdelay $0x4  }
0x2a: {  	[tilespmem:s24+$0x1C700] =	vst v0;
	v0 =	vld [tilespmem:s24+$0x18720]  }
0x2b: {  	v1 =	vld.idx.msk [tilespmem:v1+s4+$0x0], $0xffff;
	_ =	sdelay $0x4  }
0x2c: {  	[tilespmem:s24+$0x1C710] =	vst v1;
	v1 =	vld [tilespmem:s24+$0x18730];
	_ =	sdelay $0x1  }
0x2d: {  	v0 =	vld.idx.msk [tilespmem:v0+s4+$0x0], $0xffff;
	_ =	sdelay $0x4  }
0x2e: {  	[tilespmem:s24+$0x1C720] =	vst v0;
	v0 =	vld [tilespmem:s24+$0x18740]  }
0x2f: {  	v1 =	vld.idx.msk [tilespmem:v1+s4+$0x0], $0xffff;
	_ =	sdelay $0x4  }
0x30: {  	[tilespmem:s24+$0x1C730] =	vst v1;
	v1 =	vld [tilespmem:s24+$0x18750];
	_ =	sdelay $0x1  }
0x31: {  	v0 =	vld.idx.msk [tilespmem:v0+s4+$0x0], $0xffff;
	_ =	sdelay $0x4  }
0x32: {  	[tilespmem:s24+$0x1C740] =	vst v0;
	v0 =	vld [tilespmem:s24+$0x18760]  }
0x33: {  	v1 =	vld.idx.msk [tilespmem:v1+s4+$0x0], $0xffff;
	_ =	sdelay $0x4  }
0x34: {  	[tilespmem:s24+$0x1C750] =	vst v1;
	v1 =	vld [tilespmem:s24+$0x18770];
	_ =	sdelay $0x1  }
0x35: {  	v0 =	vld.idx.msk [tilespmem:v0+s4+$0x0], $0xffff;
	_ =	sdelay $0x4  }
0x36: {  	[tilespmem:s24+$0x1C760] =	vst v0;
	v0 =	vld [tilespmem:s24+$0x18780]  }
0x37: {  	v1 =	vld.idx.msk [tilespmem:v1+s4+$0x0], $0xffff;
	_ =	sdelay $0x4  }
0x38: {  	[tilespmem:s24+$0x1C770] =	vst v1;
	v1 =	vld [tilespmem:s24+$0x18790];
	_ =	sdelay $0x1  }
0x39: {  	v0 =	vld.idx.msk [tilespmem:v0+s4+$0x0], $0xffff;
	_ =	sdelay $0x4  }
0x3a: {  	[tilespmem:s24+$0x1C780] =	vst v0;
	v0 =	vld [tilespmem:s24+$0x187A0]  }
0x3b: {  	v1 =	vld.idx.msk [tilespmem:v1+s4+$0x0], $0xffff;
	_ =	sdelay $0x4  }
0x3c: {  	[tilespmem:s24+$0x1C790] =	vst v1;
	v1 =	vld [tilespmem:s24+$0x187B0];
	_ =	sdelay $0x1  }
0x3d: {  	v0 =	vld.idx.msk [tilespmem:v0+s4+$0x0], $0xffff;
	_ =	sdelay $0x4  }
0x3e: {  	[tilespmem:s24+$0x1C7A0] =	vst v0;
	v0 =	vld [tilespmem:s24+$0x187C0]  }
0x3f: {  	v1 =	vld.idx.msk [tilespmem:v1+s4+$0x0], $0xffff;
	_ =	sdelay $0x4  }
0x40: {  	[tilespmem:s24+$0x1C7B0] =	vst v1;
	v1 =	vld [tilespmem:s24+$0x187D0];
	_ =	sdelay $0x1  }
0x41: {  	v0 =	vld.idx.msk [tilespmem:v0+s4+$0x0], $0xffff;
	_ =	sdelay $0x4  }
0x42: {  	v2 =	vld [tilespmem:s24+$0x187E0];
	[tilespmem:s24+$0x1C7C0] =	vst v0  }
0x43: {  	v0 =	vld.idx.msk [tilespmem:v1+s4+$0x0], $0xffff;
	_ =	sdelay $0x4  }
0x44: {  	[tilespmem:s24+$0x1C7D0] =	vst v0;
	v0 =	vld [tilespmem:s24+$0x187F0];
	_ =	sdelay $0x1  }
0x45: {  	v1 =	vld.idx.msk [tilespmem:v2+s4+$0x0], $0xffff;
	_ =	sdelay $0x3  }
0x46: {  	s26 =	simm.s32 $0x100;
	s25 =	simm.s32 $0x800  }
.LBB2_3:
0x47: {  	p1 =	sne.s32 s25, $0x3C00;
	v2 =	vld [tilespmem:s26+$0x18700];
	[tilespmem:s24+$0x1C7E0] =	vst v1  }
0x48: {  	v0 =	vld.idx.msk [tilespmem:v0+s4+$0x0], $0xffff;
	_ =	sdelay $0x5  }
0x49: {  	v1 =	vld [tilespmem:s26+$0x18710];
	[tilespmem:s24+$0x1C7F0] =	vst v0;
	s24 =	smov.u32 s26  }
0x4a: {  	v0 =	vld.idx.msk [tilespmem:v2+s4+$0x0], $0xffff;
	_ =	sdelay $0x5  }
0x4b: {  	[tilespmem:s24+$0x1C700] =	vst v0;
	v0 =	vld [tilespmem:s24+$0x18720]  }
0x4c: {  	v1 =	vld.idx.msk [tilespmem:v1+s4+$0x0], $0xffff;
	_ =	sdelay $0x5  }
0x4d: {  	[tilespmem:s24+$0x1C710] =	vst v1;
	v1 =	vld [tilespmem:s24+$0x18730]  }
0x4e: {  	v0 =	vld.idx.msk [tilespmem:v0+s4+$0x0], $0xffff;
	_ =	sdelay $0x5  }
0x4f: {  	[tilespmem:s24+$0x1C720] =	vst v0;
	v0 =	vld [tilespmem:s24+$0x18740]  }
0x50: {  	v1 =	vld.idx.msk [tilespmem:v1+s4+$0x0], $0xffff;
	_ =	sdelay $0x5  }
0x51: {  	[tilespmem:s24+$0x1C730] =	vst v1;
	v1 =	vld [tilespmem:s24+$0x18750]  }
0x52: {  	v0 =	vld.idx.msk [tilespmem:v0+s4+$0x0], $0xffff;
	_ =	sdelay $0x5  }
0x53: {  	[tilespmem:s24+$0x1C740] =	vst v0;
	v0 =	vld [tilespmem:s24+$0x18760]  }
0x54: {  	v1 =	vld.idx.msk [tilespmem:v1+s4+$0x0], $0xffff;
	_ =	sdelay $0x5  }
0x55: {  	[tilespmem:s24+$0x1C750] =	vst v1;
	v1 =	vld [tilespmem:s24+$0x18770]  }
0x56: {  	v0 =	vld.idx.msk [tilespmem:v0+s4+$0x0], $0xffff;
	_ =	sdelay $0x5  }
0x57: {  	[tilespmem:s24+$0x1C760] =	vst v0;
	v0 =	vld [tilespmem:s24+$0x18780]  }
0x58: {  	v1 =	vld.idx.msk [tilespmem:v1+s4+$0x0], $0xffff;
	_ =	sdelay $0x5  }
0x59: {  	[tilespmem:s24+$0x1C770] =	vst v1;
	v1 =	vld [tilespmem:s24+$0x18790]  }
0x5a: {  	v0 =	vld.idx.msk [tilespmem:v0+s4+$0x0], $0xffff;
	_ =	sdelay $0x5  }
0x5b: {  	[tilespmem:s24+$0x1C780] =	vst v0;
	v0 =	vld [tilespmem:s24+$0x187A0]  }
0x5c: {  	v1 =	vld.idx.msk [tilespmem:v1+s4+$0x0], $0xffff;
	_ =	sdelay $0x5  }
0x5d: {  	[tilespmem:s24+$0x1C790] =	vst v1;
	v1 =	vld [tilespmem:s24+$0x187B0]  }
0x5e: {  	v0 =	vld.idx.msk [tilespmem:v0+s4+$0x0], $0xffff;
	_ =	sdelay $0x5  }
0x5f: {  	[tilespmem:s24+$0x1C7A0] =	vst v0;
	v0 =	vld [tilespmem:s24+$0x187C0]  }
0x60: {  	v1 =	vld.idx.msk [tilespmem:v1+s4+$0x0], $0xffff;
	_ =	sdelay $0x5  }
0x61: {  	[tilespmem:s24+$0x1C7B0] =	vst v1;
	v1 =	vld [tilespmem:s24+$0x187D0]  }
0x62: {  	v0 =	vld.idx.msk [tilespmem:v0+s4+$0x0], $0xffff;
	_ =	sdelay $0x5  }
0x63: {  	[tilespmem:s24+$0x1C7C0] =	vst v0;
	v2 =	vld [tilespmem:s24+$0x187E0]  }
0x64: {  	v0 =	vld.idx.msk [tilespmem:v1+s4+$0x0], $0xffff;
	_ =	sdelay $0x5  }
0x65: {  	[tilespmem:s24+$0x1C7D0] =	vst v0;
	v0 =	vld [tilespmem:s24+$0x187F0]  }
0x66: {  	v1 =	vld.idx.msk [tilespmem:v2+s4+$0x0], $0xffff  }
.Ltmp0:
0x67: {  	(pc) =	sbr.rel @p1 .LBB2_3-.Ltmp0, $2  }
0x68: {  	_ =	sdelay $0x2  }
0x69: {  	s26 =	sshra.s32 s25, $0x2;
	s25 =	sadd.s32 $0x400, s25  }
0x6a: {  	_ =	sdelay $0x1  }
0x6b: {  	v2 =	vld [tilespmem:s26+$0x18700]  }
0x6c: {  	[tilespmem:s24+$0x1C7E0] =	vst v1  }
0x6d: {  	v0 =	vld.idx.msk [tilespmem:v0+s4+$0x0], $0xffff;
	_ =	sdelay $0x3  }
0x6e: {  	v1 =	vld [tilespmem:s26+$0x18710]  }
0x6f: {  	[tilespmem:s24+$0x1C7F0] =	vst v0  }
0x70: {  	v0 =	vld.idx.msk [tilespmem:v2+s4+$0x0], $0xffff;
	_ =	sdelay $0x4  }
0x71: {  	[tilespmem:s26+$0x1C700] =	vst v0;
	v0 =	vld [tilespmem:s26+$0x18720]  }
0x72: {  	v1 =	vld.idx.msk [tilespmem:v1+s4+$0x0], $0xffff;
	_ =	sdelay $0x4  }
0x73: {  	[tilespmem:s26+$0x1C710] =	vst v1;
	v1 =	vld [tilespmem:s26+$0x18730];
	_ =	sdelay $0x1  }
0x74: {  	v0 =	vld.idx.msk [tilespmem:v0+s4+$0x0], $0xffff;
	_ =	sdelay $0x4  }
0x75: {  	[tilespmem:s26+$0x1C720] =	vst v0;
	v0 =	vld [tilespmem:s26+$0x18740]  }
0x76: {  	v1 =	vld.idx.msk [tilespmem:v1+s4+$0x0], $0xffff;
	_ =	sdelay $0x4  }
0x77: {  	[tilespmem:s26+$0x1C730] =	vst v1;
	v1 =	vld [tilespmem:s26+$0x18750];
	_ =	sdelay $0x1  }
0x78: {  	v0 =	vld.idx.msk [tilespmem:v0+s4+$0x0], $0xffff;
	_ =	sdelay $0x4  }
0x79: {  	[tilespmem:s26+$0x1C740] =	vst v0;
	v0 =	vld [tilespmem:s26+$0x18760]  }
0x7a: {  	v1 =	vld.idx.msk [tilespmem:v1+s4+$0x0], $0xffff;
	_ =	sdelay $0x4  }
0x7b: {  	[tilespmem:s26+$0x1C750] =	vst v1;
	v1 =	vld [tilespmem:s26+$0x18770];
	_ =	sdelay $0x1  }
0x7c: {  	v0 =	vld.idx.msk [tilespmem:v0+s4+$0x0], $0xffff;
	_ =	sdelay $0x4  }
0x7d: {  	[tilespmem:s26+$0x1C760] =	vst v0;
	v0 =	vld [tilespmem:s26+$0x18780]  }
0x7e: {  	v1 =	vld.idx.msk [tilespmem:v1+s4+$0x0], $0xffff;
	_ =	sdelay $0x4  }
0x7f: {  	[tilespmem:s26+$0x1C770] =	vst v1;
	v1 =	vld [tilespmem:s26+$0x18790];
	_ =	sdelay $0x1  }
0x80: {  	v0 =	vld.idx.msk [tilespmem:v0+s4+$0x0], $0xffff;
	_ =	sdelay $0x4  }
0x81: {  	[tilespmem:s26+$0x1C780] =	vst v0;
	v0 =	vld [tilespmem:s26+$0x187A0]  }
0x82: {  	v1 =	vld.idx.msk [tilespmem:v1+s4+$0x0], $0xffff;
	_ =	sdelay $0x4  }
0x83: {  	[tilespmem:s26+$0x1C790] =	vst v1;
	v1 =	vld [tilespmem:s26+$0x187B0];
	_ =	sdelay $0x1  }
0x84: {  	v0 =	vld.idx.msk [tilespmem:v0+s4+$0x0], $0xffff;
	_ =	sdelay $0x4  }
0x85: {  	[tilespmem:s26+$0x1C7A0] =	vst v0;
	v0 =	vld [tilespmem:s26+$0x187C0]  }
0x86: {  	v1 =	vld.idx.msk [tilespmem:v1+s4+$0x0], $0xffff;
	_ =	sdelay $0x4  }
0x87: {  	[tilespmem:s26+$0x1C7B0] =	vst v1;
	v1 =	vld [tilespmem:s26+$0x187D0];
	_ =	sdelay $0x1  }
0x88: {  	v0 =	vld.idx.msk [tilespmem:v0+s4+$0x0], $0xffff;
	_ =	sdelay $0x4  }
0x89: {  	[tilespmem:s26+$0x1C7C0] =	vst v0;
	v0 =	vld [tilespmem:s26+$0x187E0]  }
0x8a: {  	v1 =	vld.idx.msk [tilespmem:v1+s4+$0x0], $0xffff;
	_ =	sdelay $0x4  }
0x8b: {  	[tilespmem:s26+$0x1C7D0] =	vst v1;
	v1 =	vld [tilespmem:s26+$0x187F0];
	_ =	sdelay $0x1  }
0x8c: {  	v0 =	vld.idx.msk [tilespmem:v0+s4+$0x0], $0xffff;
	_ =	sdelay $0x4  }
0x8d: {  	[tilespmem:s26+$0x1C7E0] =	vst v0  }
0x8e: {  	v0 =	vld.idx.msk [tilespmem:v1+s4+$0x0], $0xffff;
	_ =	sdelay $0x1  }
0x8f: {  	s22 =	sshll.u32 s22, $0x11  }
0x90: {  	s22 =	sor.u32 s23, s22  }
0x91: {  	s22 =	sshrl.u32 s22, $0x3  }
0x92: {  	s23 =	simm.s32 $0x0;
	s31 =	sadd.s32 s5, s22;
	[tilespmem:s26+$0x1C7F0] =	vst v0  }
0x93: {  	[hbm4b:s31+s11] =	stream.strided.scatter [tilespmem:s16], [sflag:$0x3], $0x1000, s12, s11, $0x38;
	[tilespmem:$0x1E700] =	vst v63  }
0x94: {  	v0 =	vld [tilespmem:s23+$0x19700];
	_ =	sdelay $0x5  }
0x95: {  	v1 =	vld [tilespmem:s23+$0x19710];
	_ =	sdelay $0x1  }
0x96: {  	v0 =	vld.idx.msk [tilespmem:v0+s4+$0x0], $0xffff;
	_ =	sdelay $0x4  }
0x97: {  	[tilespmem:s23+$0x1D700] =	vst v0;
	v0 =	vld [tilespmem:s23+$0x19720]  }
0x98: {  	v1 =	vld.idx.msk [tilespmem:v1+s4+$0x0], $0xffff;
	_ =	sdelay $0x4  }
0x99: {  	[tilespmem:s23+$0x1D710] =	vst v1;
	v1 =	vld [tilespmem:s23+$0x19730];
	_ =	sdelay $0x1  }
0x9a: {  	v0 =	vld.idx.msk [tilespmem:v0+s4+$0x0], $0xffff;
	_ =	sdelay $0x4  }
0x9b: {  	[tilespmem:s23+$0x1D720] =	vst v0;
	v0 =	vld [tilespmem:s23+$0x19740]  }
0x9c: {  	v1 =	vld.idx.msk [tilespmem:v1+s4+$0x0], $0xffff;
	_ =	sdelay $0x4  }
0x9d: {  	[tilespmem:s23+$0x1D730] =	vst v1;
	v1 =	vld [tilespmem:s23+$0x19750];
	_ =	sdelay $0x1  }
0x9e: {  	v0 =	vld.idx.msk [tilespmem:v0+s4+$0x0], $0xffff;
	_ =	sdelay $0x4  }
0x9f: {  	[tilespmem:s23+$0x1D740] =	vst v0;
	v0 =	vld [tilespmem:s23+$0x19760]  }
0xa0: {  	v1 =	vld.idx.msk [tilespmem:v1+s4+$0x0], $0xffff;
	_ =	sdelay $0x4  }
0xa1: {  	[tilespmem:s23+$0x1D750] =	vst v1;
	v1 =	vld [tilespmem:s23+$0x19770];
	_ =	sdelay $0x1  }
0xa2: {  	v0 =	vld.idx.msk [tilespmem:v0+s4+$0x0], $0xffff;
	_ =	sdelay $0x4  }
0xa3: {  	[tilespmem:s23+$0x1D760] =	vst v0;
	v0 =	vld [tilespmem:s23+$0x19780]  }
0xa4: {  	v1 =	vld.idx.msk [tilespmem:v1+s4+$0x0], $0xffff;
	_ =	sdelay $0x4  }
0xa5: {  	[tilespmem:s23+$0x1D770] =	vst v1;
	v1 =	vld [tilespmem:s23+$0x19790];
	_ =	sdelay $0x1  }
0xa6: {  	v0 =	vld.idx.msk [tilespmem:v0+s4+$0x0], $0xffff;
	_ =	sdelay $0x4  }
0xa7: {  	[tilespmem:s23+$0x1D780] =	vst v0;
	v0 =	vld [tilespmem:s23+$0x197A0]  }
0xa8: {  	v1 =	vld.idx.msk [tilespmem:v1+s4+$0x0], $0xffff;
	_ =	sdelay $0x4  }
0xa9: {  	[tilespmem:s23+$0x1D790] =	vst v1;
	v1 =	vld [tilespmem:s23+$0x197B0];
	_ =	sdelay $0x1  }
0xaa: {  	v0 =	vld.idx.msk [tilespmem:v0+s4+$0x0], $0xffff;
	_ =	sdelay $0x4  }
0xab: {  	[tilespmem:s23+$0x1D7A0] =	vst v0;
	v0 =	vld [tilespmem:s23+$0x197C0]  }
0xac: {  	v1 =	vld.idx.msk [tilespmem:v1+s4+$0x0], $0xffff;
	_ =	sdelay $0x4  }
0xad: {  	[tilespmem:s23+$0x1D7B0] =	vst v1;
	v1 =	vld [tilespmem:s23+$0x197D0];
	_ =	sdelay $0x1  }
0xae: {  	v0 =	vld.idx.msk [tilespmem:v0+s4+$0x0], $0xffff;
	_ =	sdelay $0x4  }
0xaf: {  	v2 =	vld [tilespmem:s23+$0x197E0];
	[tilespmem:s23+$0x1D7C0] =	vst v0  }
0xb0: {  	v0 =	vld.idx.msk [tilespmem:v1+s4+$0x0], $0xffff;
	_ =	sdelay $0x4  }
0xb1: {  	[tilespmem:s23+$0x1D7D0] =	vst v0;
	v0 =	vld [tilespmem:s23+$0x197F0];
	_ =	sdelay $0x1  }
0xb2: {  	v1 =	vld.idx.msk [tilespmem:v2+s4+$0x0], $0xffff;
	_ =	sdelay $0x3  }
0xb3: {  	s25 =	simm.s32 $0x100;
	s24 =	simm.s32 $0x800  }
.LBB2_5:
0xb4: {  	p1 =	sne.s32 s24, $0x3C00;
	v2 =	vld [tilespmem:s25+$0x19700];
	[tilespmem:s23+$0x1D7E0] =	vst v1  }
0xb5: {  	v0 =	vld.idx.msk [tilespmem:v0+s4+$0x0], $0xffff;
	_ =	sdelay $0x5  }
0xb6: {  	v1 =	vld [tilespmem:s25+$0x19710];
	[tilespmem:s23+$0x1D7F0] =	vst v0;
	s23 =	smov.u32 s25  }
0xb7: {  	v0 =	vld.idx.msk [tilespmem:v2+s4+$0x0], $0xffff;
	_ =	sdelay $0x5  }
0xb8: {  	[tilespmem:s23+$0x1D700] =	vst v0;
	v0 =	vld [tilespmem:s23+$0x19720]  }
0xb9: {  	v1 =	vld.idx.msk [tilespmem:v1+s4+$0x0], $0xffff;
	_ =	sdelay $0x5  }
0xba: {  	[tilespmem:s23+$0x1D710] =	vst v1;
	v1 =	vld [tilespmem:s23+$0x19730]  }
0xbb: {  	v0 =	vld.idx.msk [tilespmem:v0+s4+$0x0], $0xffff;
	_ =	sdelay $0x5  }
0xbc: {  	[tilespmem:s23+$0x1D720] =	vst v0;
	v0 =	vld [tilespmem:s23+$0x19740]  }
0xbd: {  	v1 =	vld.idx.msk [tilespmem:v1+s4+$0x0], $0xffff;
	_ =	sdelay $0x5  }
0xbe: {  	[tilespmem:s23+$0x1D730] =	vst v1;
	v1 =	vld [tilespmem:s23+$0x19750]  }
0xbf: {  	v0 =	vld.idx.msk [tilespmem:v0+s4+$0x0], $0xffff;
	_ =	sdelay $0x5  }
0xc0: {  	[tilespmem:s23+$0x1D740] =	vst v0;
	v0 =	vld [tilespmem:s23+$0x19760]  }
0xc1: {  	v1 =	vld.idx.msk [tilespmem:v1+s4+$0x0], $0xffff;
	_ =	sdelay $0x5  }
0xc2: {  	[tilespmem:s23+$0x1D750] =	vst v1;
	v1 =	vld [tilespmem:s23+$0x19770]  }
0xc3: {  	v0 =	vld.idx.msk [tilespmem:v0+s4+$0x0], $0xffff;
	_ =	sdelay $0x5  }
0xc4: {  	[tilespmem:s23+$0x1D760] =	vst v0;
	v0 =	vld [tilespmem:s23+$0x19780]  }
0xc5: {  	v1 =	vld.idx.msk [tilespmem:v1+s4+$0x0], $0xffff;
	_ =	sdelay $0x5  }
0xc6: {  	[tilespmem:s23+$0x1D770] =	vst v1;
	v1 =	vld [tilespmem:s23+$0x19790]  }
0xc7: {  	v0 =	vld.idx.msk [tilespmem:v0+s4+$0x0], $0xffff;
	_ =	sdelay $0x5  }
0xc8: {  	[tilespmem:s23+$0x1D780] =	vst v0;
	v0 =	vld [tilespmem:s23+$0x197A0]  }
0xc9: {  	v1 =	vld.idx.msk [tilespmem:v1+s4+$0x0], $0xffff;
	_ =	sdelay $0x5  }
0xca: {  	[tilespmem:s23+$0x1D790] =	vst v1;
	v1 =	vld [tilespmem:s23+$0x197B0]  }
0xcb: {  	v0 =	vld.idx.msk [tilespmem:v0+s4+$0x0], $0xffff;
	_ =	sdelay $0x5  }
0xcc: {  	[tilespmem:s23+$0x1D7A0] =	vst v0;
	v0 =	vld [tilespmem:s23+$0x197C0]  }
0xcd: {  	v1 =	vld.idx.msk [tilespmem:v1+s4+$0x0], $0xffff;
	_ =	sdelay $0x5  }
0xce: {  	[tilespmem:s23+$0x1D7B0] =	vst v1;
	v1 =	vld [tilespmem:s23+$0x197D0]  }
0xcf: {  	v0 =	vld.idx.msk [tilespmem:v0+s4+$0x0], $0xffff;
	_ =	sdelay $0x5  }
0xd0: {  	[tilespmem:s23+$0x1D7C0] =	vst v0;
	v2 =	vld [tilespmem:s23+$0x197E0]  }
0xd1: {  	v0 =	vld.idx.msk [tilespmem:v1+s4+$0x0], $0xffff;
	_ =	sdelay $0x5  }
0xd2: {  	[tilespmem:s23+$0x1D7D0] =	vst v0;
	v0 =	vld [tilespmem:s23+$0x197F0]  }
0xd3: {  	v1 =	vld.idx.msk [tilespmem:v2+s4+$0x0], $0xffff  }
.Ltmp1:
0xd4: {  	(pc) =	sbr.rel @p1 .LBB2_5-.Ltmp1, $2  }
0xd5: {  	_ =	sdelay $0x2  }
0xd6: {  	s25 =	sshra.s32 s24, $0x2;
	s24 =	sadd.s32 $0x400, s24  }
0xd7: {  	_ =	sdelay $0x1  }
0xd8: {  	v2 =	vld [tilespmem:s25+$0x19700]  }
0xd9: {  	[tilespmem:s23+$0x1D7E0] =	vst v1  }
0xda: {  	v0 =	vld.idx.msk [tilespmem:v0+s4+$0x0], $0xffff;
	_ =	sdelay $0x3  }
0xdb: {  	v1 =	vld [tilespmem:s25+$0x19710]  }
0xdc: {  	[tilespmem:s23+$0x1D7F0] =	vst v0  }
0xdd: {  	v0 =	vld.idx.msk [tilespmem:v2+s4+$0x0], $0xffff;
	_ =	sdelay $0x4  }
0xde: {  	[tilespmem:s25+$0x1D700] =	vst v0;
	v0 =	vld [tilespmem:s25+$0x19720]  }
0xdf: {  	v1 =	vld.idx.msk [tilespmem:v1+s4+$0x0], $0xffff;
	_ =	sdelay $0x4  }
0xe0: {  	[tilespmem:s25+$0x1D710] =	vst v1;
	v1 =	vld [tilespmem:s25+$0x19730];
	_ =	sdelay $0x1  }
0xe1: {  	v0 =	vld.idx.msk [tilespmem:v0+s4+$0x0], $0xffff;
	_ =	sdelay $0x4  }
0xe2: {  	[tilespmem:s25+$0x1D720] =	vst v0;
	v0 =	vld [tilespmem:s25+$0x19740]  }
0xe3: {  	v1 =	vld.idx.msk [tilespmem:v1+s4+$0x0], $0xffff;
	_ =	sdelay $0x4  }
0xe4: {  	[tilespmem:s25+$0x1D730] =	vst v1;
	v1 =	vld [tilespmem:s25+$0x19750];
	_ =	sdelay $0x1  }
0xe5: {  	v0 =	vld.idx.msk [tilespmem:v0+s4+$0x0], $0xffff;
	_ =	sdelay $0x4  }
0xe6: {  	[tilespmem:s25+$0x1D740] =	vst v0;
	v0 =	vld [tilespmem:s25+$0x19760]  }
0xe7: {  	v1 =	vld.idx.msk [tilespmem:v1+s4+$0x0], $0xffff;
	_ =	sdelay $0x4  }
0xe8: {  	[tilespmem:s25+$0x1D750] =	vst v1;
	v1 =	vld [tilespmem:s25+$0x19770];
	_ =	sdelay $0x1  }
0xe9: {  	v0 =	vld.idx.msk [tilespmem:v0+s4+$0x0], $0xffff;
	_ =	sdelay $0x4  }
0xea: {  	[tilespmem:s25+$0x1D760] =	vst v0;
	v0 =	vld [tilespmem:s25+$0x19780]  }
0xeb: {  	v1 =	vld.idx.msk [tilespmem:v1+s4+$0x0], $0xffff;
	_ =	sdelay $0x4  }
0xec: {  	[tilespmem:s25+$0x1D770] =	vst v1;
	v1 =	vld [tilespmem:s25+$0x19790];
	_ =	sdelay $0x1  }
0xed: {  	v0 =	vld.idx.msk [tilespmem:v0+s4+$0x0], $0xffff;
	_ =	sdelay $0x4  }
0xee: {  	[tilespmem:s25+$0x1D780] =	vst v0;
	v0 =	vld [tilespmem:s25+$0x197A0]  }
0xef: {  	v1 =	vld.idx.msk [tilespmem:v1+s4+$0x0], $0xffff;
	_ =	sdelay $0x4  }
0xf0: {  	[tilespmem:s25+$0x1D790] =	vst v1;
	v1 =	vld [tilespmem:s25+$0x197B0];
	_ =	sdelay $0x1  }
0xf1: {  	v0 =	vld.idx.msk [tilespmem:v0+s4+$0x0], $0xffff;
	_ =	sdelay $0x4  }
0xf2: {  	[tilespmem:s25+$0x1D7A0] =	vst v0;
	v0 =	vld [tilespmem:s25+$0x197C0]  }
0xf3: {  	v1 =	vld.idx.msk [tilespmem:v1+s4+$0x0], $0xffff;
	_ =	sdelay $0x4  }
0xf4: {  	[tilespmem:s25+$0x1D7B0] =	vst v1;
	v1 =	vld [tilespmem:s25+$0x197D0];
	_ =	sdelay $0x1  }
0xf5: {  	v0 =	vld.idx.msk [tilespmem:v0+s4+$0x0], $0xffff;
	_ =	sdelay $0x4  }
0xf6: {  	[tilespmem:s25+$0x1D7C0] =	vst v0;
	v0 =	vld [tilespmem:s25+$0x197E0]  }
0xf7: {  	v1 =	vld.idx.msk [tilespmem:v1+s4+$0x0], $0xffff;
	_ =	sdelay $0x4  }
0xf8: {  	[tilespmem:s25+$0x1D7D0] =	vst v1;
	v1 =	vld [tilespmem:s25+$0x197F0];
	_ =	sdelay $0x1  }
0xf9: {  	v0 =	vld.idx.msk [tilespmem:v0+s4+$0x0], $0xffff;
	_ =	sdelay $0x4  }
0xfa: {  	[tilespmem:s25+$0x1D7E0] =	vst v0  }
0xfb: {  	v0 =	vld.idx.msk [tilespmem:v1+s4+$0x0], $0xffff;
	_ =	sdelay $0x4  }
0xfc: {  	s31 =	sadd.s32 s22, s7;
	[tilespmem:s25+$0x1D7F0] =	vst v0  }
0xfd: {  	[hbm4b:s31+s11] =	stream.strided.scatter [tilespmem:s17], [sflag:$0x4], $0x1000, s12, s11, $0x38;
	[tilespmem:$0x1E700] =	vst v63  }
0xfe: {  	_ =	swait.ge [sflag:s18], $0x1000  }
0xff: {  	[sflag:s18] =	ssyncset.done $0x0  }
0x100: {  	s23 =	simm.s32 $0x0;
	[sflag:s18] =	ssyncadd.s32 $0xFFFFF000  }
0x101: {  	v0 =	vld [tilespmem:s23+$0x1A700];
	_ =	sdelay $0x5  }
0x102: {  	v1 =	vld [tilespmem:s23+$0x1A710];
	_ =	sdelay $0x1  }
0x103: {  	v0 =	vld.idx.msk [tilespmem:v0+s4+$0x0], $0xffff;
	_ =	sdelay $0x4  }
0x104: {  	[tilespmem:s23+$0x1C700] =	vst v0;
	v0 =	vld [tilespmem:s23+$0x1A720]  }
0x105: {  	v1 =	vld.idx.msk [tilespmem:v1+s4+$0x0], $0xffff;
	_ =	sdelay $0x4  }
0x106: {  	[tilespmem:s23+$0x1C710] =	vst v1;
	v1 =	vld [tilespmem:s23+$0x1A730];
	_ =	sdelay $0x1  }
0x107: {  	v0 =	vld.idx.msk [tilespmem:v0+s4+$0x0], $0xffff;
	_ =	sdelay $0x4  }
0x108: {  	[tilespmem:s23+$0x1C720] =	vst v0;
	v0 =	vld [tilespmem:s23+$0x1A740]  }
0x109: {  	v1 =	vld.idx.msk [tilespmem:v1+s4+$0x0], $0xffff;
	_ =	sdelay $0x4  }
0x10a: {  	[tilespmem:s23+$0x1C730] =	vst v1;
	v1 =	vld [tilespmem:s23+$0x1A750];
	_ =	sdelay $0x1  }
0x10b: {  	v0 =	vld.idx.msk [tilespmem:v0+s4+$0x0], $0xffff;
	_ =	sdelay $0x4  }
0x10c: {  	[tilespmem:s23+$0x1C740] =	vst v0;
	v0 =	vld [tilespmem:s23+$0x1A760]  }
0x10d: {  	v1 =	vld.idx.msk [tilespmem:v1+s4+$0x0], $0xffff;
	_ =	sdelay $0x4  }
0x10e: {  	[tilespmem:s23+$0x1C750] =	vst v1;
	v1 =	vld [tilespmem:s23+$0x1A770];
	_ =	sdelay $0x1  }
0x10f: {  	v0 =	vld.idx.msk [tilespmem:v0+s4+$0x0], $0xffff;
	_ =	sdelay $0x4  }
0x110: {  	[tilespmem:s23+$0x1C760] =	vst v0;
	v0 =	vld [tilespmem:s23+$0x1A780]  }
0x111: {  	v1 =	vld.idx.msk [tilespmem:v1+s4+$0x0], $0xffff;
	_ =	sdelay $0x4  }
0x112: {  	[tilespmem:s23+$0x1C770] =	vst v1;
	v1 =	vld [tilespmem:s23+$0x1A790];
	_ =	sdelay $0x1  }
0x113: {  	v0 =	vld.idx.msk [tilespmem:v0+s4+$0x0], $0xffff;
	_ =	sdelay $0x4  }
0x114: {  	[tilespmem:s23+$0x1C780] =	vst v0;
	v0 =	vld [tilespmem:s23+$0x1A7A0]  }
0x115: {  	v1 =	vld.idx.msk [tilespmem:v1+s4+$0x0], $0xffff;
	_ =	sdelay $0x4  }
0x116: {  	[tilespmem:s23+$0x1C790] =	vst v1;
	v1 =	vld [tilespmem:s23+$0x1A7B0];
	_ =	sdelay $0x1  }
0x117: {  	v0 =	vld.idx.msk [tilespmem:v0+s4+$0x0], $0xffff;
	_ =	sdelay $0x4  }
0x118: {  	[tilespmem:s23+$0x1C7A0] =	vst v0;
	v0 =	vld [tilespmem:s23+$0x1A7C0]  }
0x119: {  	v1 =	vld.idx.msk [tilespmem:v1+s4+$0x0], $0xffff;
	_ =	sdelay $0x4  }
0x11a: {  	[tilespmem:s23+$0x1C7B0] =	vst v1;
	v1 =	vld [tilespmem:s23+$0x1A7D0];
	_ =	sdelay $0x1  }
0x11b: {  	v0 =	vld.idx.msk [tilespmem:v0+s4+$0x0], $0xffff;
	_ =	sdelay $0x4  }
0x11c: {  	v2 =	vld [tilespmem:s23+$0x1A7E0];
	[tilespmem:s23+$0x1C7C0] =	vst v0  }
0x11d: {  	v0 =	vld.idx.msk [tilespmem:v1+s4+$0x0], $0xffff;
	_ =	sdelay $0x4  }
0x11e: {  	[tilespmem:s23+$0x1C7D0] =	vst v0;
	v0 =	vld [tilespmem:s23+$0x1A7F0];
	_ =	sdelay $0x1  }
0x11f: {  	v1 =	vld.idx.msk [tilespmem:v2+s4+$0x0], $0xffff;
	_ =	sdelay $0x3  }
0x120: {  	s24 =	simm.s32 $0x800;
	s25 =	simm.s32 $0x100  }
.LBB2_7:
0x121: {  	p1 =	sne.s32 s24, $0x3C00;
	v2 =	vld [tilespmem:s25+$0x1A700];
	[tilespmem:s23+$0x1C7E0] =	vst v1  }
0x122: {  	v0 =	vld.idx.msk [tilespmem:v0+s4+$0x0], $0xffff;
	_ =	sdelay $0x5  }
0x123: {  	v1 =	vld [tilespmem:s25+$0x1A710];
	[tilespmem:s23+$0x1C7F0] =	vst v0;
	s23 =	smov.u32 s25  }
0x124: {  	v0 =	vld.idx.msk [tilespmem:v2+s4+$0x0], $0xffff;
	_ =	sdelay $0x5  }
0x125: {  	[tilespmem:s23+$0x1C700] =	vst v0;
	v0 =	vld [tilespmem:s23+$0x1A720]  }
0x126: {  	v1 =	vld.idx.msk [tilespmem:v1+s4+$0x0], $0xffff;
	_ =	sdelay $0x5  }
0x127: {  	[tilespmem:s23+$0x1C710] =	vst v1;
	v1 =	vld [tilespmem:s23+$0x1A730]  }
0x128: {  	v0 =	vld.idx.msk [tilespmem:v0+s4+$0x0], $0xffff;
	_ =	sdelay $0x5  }
0x129: {  	[tilespmem:s23+$0x1C720] =	vst v0;
	v0 =	vld [tilespmem:s23+$0x1A740]  }
0x12a: {  	v1 =	vld.idx.msk [tilespmem:v1+s4+$0x0], $0xffff;
	_ =	sdelay $0x5  }
0x12b: {  	[tilespmem:s23+$0x1C730] =	vst v1;
	v1 =	vld [tilespmem:s23+$0x1A750]  }
0x12c: {  	v0 =	vld.idx.msk [tilespmem:v0+s4+$0x0], $0xffff;
	_ =	sdelay $0x5  }
0x12d: {  	[tilespmem:s23+$0x1C740] =	vst v0;
	v0 =	vld [tilespmem:s23+$0x1A760]  }
0x12e: {  	v1 =	vld.idx.msk [tilespmem:v1+s4+$0x0], $0xffff;
	_ =	sdelay $0x5  }
0x12f: {  	[tilespmem:s23+$0x1C750] =	vst v1;
	v1 =	vld [tilespmem:s23+$0x1A770]  }
0x130: {  	v0 =	vld.idx.msk [tilespmem:v0+s4+$0x0], $0xffff;
	_ =	sdelay $0x5  }
0x131: {  	[tilespmem:s23+$0x1C760] =	vst v0;
	v0 =	vld [tilespmem:s23+$0x1A780]  }
0x132: {  	v1 =	vld.idx.msk [tilespmem:v1+s4+$0x0], $0xffff;
	_ =	sdelay $0x5  }
0x133: {  	[tilespmem:s23+$0x1C770] =	vst v1;
	v1 =	vld [tilespmem:s23+$0x1A790]  }
0x134: {  	v0 =	vld.idx.msk [tilespmem:v0+s4+$0x0], $0xffff;
	_ =	sdelay $0x5  }
0x135: {  	[tilespmem:s23+$0x1C780] =	vst v0;
	v0 =	vld [tilespmem:s23+$0x1A7A0]  }
0x136: {  	v1 =	vld.idx.msk [tilespmem:v1+s4+$0x0], $0xffff;
	_ =	sdelay $0x5  }
0x137: {  	[tilespmem:s23+$0x1C790] =	vst v1;
	v1 =	vld [tilespmem:s23+$0x1A7B0]  }
0x138: {  	v0 =	vld.idx.msk [tilespmem:v0+s4+$0x0], $0xffff;
	_ =	sdelay $0x5  }
0x139: {  	[tilespmem:s23+$0x1C7A0] =	vst v0;
	v0 =	vld [tilespmem:s23+$0x1A7C0]  }
0x13a: {  	v1 =	vld.idx.msk [tilespmem:v1+s4+$0x0], $0xffff;
	_ =	sdelay $0x5  }
0x13b: {  	[tilespmem:s23+$0x1C7B0] =	vst v1;
	v1 =	vld [tilespmem:s23+$0x1A7D0]  }
0x13c: {  	v0 =	vld.idx.msk [tilespmem:v0+s4+$0x0], $0xffff;
	_ =	sdelay $0x5  }
0x13d: {  	[tilespmem:s23+$0x1C7C0] =	vst v0;
	v2 =	vld [tilespmem:s23+$0x1A7E0]  }
0x13e: {  	v0 =	vld.idx.msk [tilespmem:v1+s4+$0x0], $0xffff;
	_ =	sdelay $0x5  }
0x13f: {  	[tilespmem:s23+$0x1C7D0] =	vst v0;
	v0 =	vld [tilespmem:s23+$0x1A7F0]  }
0x140: {  	v1 =	vld.idx.msk [tilespmem:v2+s4+$0x0], $0xffff  }
.Ltmp2:
0x141: {  	(pc) =	sbr.rel @p1 .LBB2_7-.Ltmp2, $2  }
0x142: {  	_ =	sdelay $0x2  }
0x143: {  	s25 =	sshra.s32 s24, $0x2;
	s24 =	sadd.s32 $0x400, s24  }
0x144: {  	_ =	sdelay $0x1  }
0x145: {  	v2 =	vld [tilespmem:s25+$0x1A700]  }
0x146: {  	[tilespmem:s23+$0x1C7E0] =	vst v1  }
0x147: {  	v0 =	vld.idx.msk [tilespmem:v0+s4+$0x0], $0xffff;
	_ =	sdelay $0x3  }
0x148: {  	v1 =	vld [tilespmem:s25+$0x1A710]  }
0x149: {  	[tilespmem:s23+$0x1C7F0] =	vst v0  }
0x14a: {  	v0 =	vld.idx.msk [tilespmem:v2+s4+$0x0], $0xffff;
	_ =	sdelay $0x4  }
0x14b: {  	[tilespmem:s25+$0x1C700] =	vst v0;
	v0 =	vld [tilespmem:s25+$0x1A720]  }
0x14c: {  	v1 =	vld.idx.msk [tilespmem:v1+s4+$0x0], $0xffff;
	_ =	sdelay $0x4  }
0x14d: {  	[tilespmem:s25+$0x1C710] =	vst v1;
	v1 =	vld [tilespmem:s25+$0x1A730];
	_ =	sdelay $0x1  }
0x14e: {  	v0 =	vld.idx.msk [tilespmem:v0+s4+$0x0], $0xffff;
	_ =	sdelay $0x4  }
0x14f: {  	[tilespmem:s25+$0x1C720] =	vst v0;
	v0 =	vld [tilespmem:s25+$0x1A740]  }
0x150: {  	v1 =	vld.idx.msk [tilespmem:v1+s4+$0x0], $0xffff;
	_ =	sdelay $0x4  }
0x151: {  	[tilespmem:s25+$0x1C730] =	vst v1;
	v1 =	vld [tilespmem:s25+$0x1A750];
	_ =	sdelay $0x1  }
0x152: {  	v0 =	vld.idx.msk [tilespmem:v0+s4+$0x0], $0xffff;
	_ =	sdelay $0x4  }
0x153: {  	[tilespmem:s25+$0x1C740] =	vst v0;
	v0 =	vld [tilespmem:s25+$0x1A760]  }
0x154: {  	v1 =	vld.idx.msk [tilespmem:v1+s4+$0x0], $0xffff;
	_ =	sdelay $0x4  }
0x155: {  	[tilespmem:s25+$0x1C750] =	vst v1;
	v1 =	vld [tilespmem:s25+$0x1A770];
	_ =	sdelay $0x1  }
0x156: {  	v0 =	vld.idx.msk [tilespmem:v0+s4+$0x0], $0xffff;
	_ =	sdelay $0x4  }
0x157: {  	[tilespmem:s25+$0x1C760] =	vst v0;
	v0 =	vld [tilespmem:s25+$0x1A780]  }
0x158: {  	v1 =	vld.idx.msk [tilespmem:v1+s4+$0x0], $0xffff;
	_ =	sdelay $0x4  }
0x159: {  	[tilespmem:s25+$0x1C770] =	vst v1;
	v1 =	vld [tilespmem:s25+$0x1A790];
	_ =	sdelay $0x1  }
0x15a: {  	v0 =	vld.idx.msk [tilespmem:v0+s4+$0x0], $0xffff;
	_ =	sdelay $0x4  }
0x15b: {  	[tilespmem:s25+$0x1C780] =	vst v0;
	v0 =	vld [tilespmem:s25+$0x1A7A0]  }
0x15c: {  	v1 =	vld.idx.msk [tilespmem:v1+s4+$0x0], $0xffff;
	_ =	sdelay $0x4  }
0x15d: {  	[tilespmem:s25+$0x1C790] =	vst v1;
	v1 =	vld [tilespmem:s25+$0x1A7B0];
	_ =	sdelay $0x1  }
0x15e: {  	v0 =	vld.idx.msk [tilespmem:v0+s4+$0x0], $0xffff;
	_ =	sdelay $0x4  }
0x15f: {  	[tilespmem:s25+$0x1C7A0] =	vst v0;
	v0 =	vld [tilespmem:s25+$0x1A7C0]  }
0x160: {  	v1 =	vld.idx.msk [tilespmem:v1+s4+$0x0], $0xffff;
	_ =	sdelay $0x4  }
0x161: {  	[tilespmem:s25+$0x1C7B0] =	vst v1;
	v1 =	vld [tilespmem:s25+$0x1A7D0];
	_ =	sdelay $0x1  }
0x162: {  	v0 =	vld.idx.msk [tilespmem:v0+s4+$0x0], $0xffff;
	_ =	sdelay $0x4  }
0x163: {  	[tilespmem:s25+$0x1C7C0] =	vst v0;
	v0 =	vld [tilespmem:s25+$0x1A7E0]  }
0x164: {  	v1 =	vld.idx.msk [tilespmem:v1+s4+$0x0], $0xffff;
	_ =	sdelay $0x4  }
0x165: {  	[tilespmem:s25+$0x1C7D0] =	vst v1;
	v1 =	vld [tilespmem:s25+$0x1A7F0];
	_ =	sdelay $0x1  }
0x166: {  	v0 =	vld.idx.msk [tilespmem:v0+s4+$0x0], $0xffff;
	_ =	sdelay $0x4  }
0x167: {  	[tilespmem:s25+$0x1C7E0] =	vst v0  }
0x168: {  	v0 =	vld.idx.msk [tilespmem:v1+s4+$0x0], $0xffff;
	_ =	sdelay $0x4  }
0x169: {  	s31 =	sadd.s32 s22, s8;
	[tilespmem:s25+$0x1C7F0] =	vst v0  }
0x16a: {  	[hbm4b:s31+s11] =	stream.strided.scatter [tilespmem:s16], [sflag:$0x3], $0x1000, s12, s11, $0x38;
	[tilespmem:$0x1E700] =	vst v63  }
0x16b: {  	_ =	swait.ge [sflag:s19], $0x1000  }
0x16c: {  	[sflag:s19] =	ssyncset.done $0x0  }
0x16d: {  	s23 =	simm.s32 $0x0;
	[sflag:s19] =	ssyncadd.s32 $0xFFFFF000  }
0x16e: {  	v0 =	vld [tilespmem:s23+$0x1B700];
	_ =	sdelay $0x5  }
0x16f: {  	v1 =	vld [tilespmem:s23+$0x1B710];
	_ =	sdelay $0x1  }
0x170: {  	v0 =	vld.idx.msk [tilespmem:v0+s4+$0x0], $0xffff;
	_ =	sdelay $0x4  }
0x171: {  	[tilespmem:s23+$0x1D700] =	vst v0;
	v0 =	vld [tilespmem:s23+$0x1B720]  }
0x172: {  	v1 =	vld.idx.msk [tilespmem:v1+s4+$0x0], $0xffff;
	_ =	sdelay $0x4  }
0x173: {  	[tilespmem:s23+$0x1D710] =	vst v1;
	v1 =	vld [tilespmem:s23+$0x1B730];
	_ =	sdelay $0x1  }
0x174: {  	v0 =	vld.idx.msk [tilespmem:v0+s4+$0x0], $0xffff;
	_ =	sdelay $0x4  }
0x175: {  	[tilespmem:s23+$0x1D720] =	vst v0;
	v0 =	vld [tilespmem:s23+$0x1B740]  }
0x176: {  	v1 =	vld.idx.msk [tilespmem:v1+s4+$0x0], $0xffff;
	_ =	sdelay $0x4  }
0x177: {  	[tilespmem:s23+$0x1D730] =	vst v1;
	v1 =	vld [tilespmem:s23+$0x1B750];
	_ =	sdelay $0x1  }
0x178: {  	v0 =	vld.idx.msk [tilespmem:v0+s4+$0x0], $0xffff;
	_ =	sdelay $0x4  }
0x179: {  	[tilespmem:s23+$0x1D740] =	vst v0;
	v0 =	vld [tilespmem:s23+$0x1B760]  }
0x17a: {  	v1 =	vld.idx.msk [tilespmem:v1+s4+$0x0], $0xffff;
	_ =	sdelay $0x4  }
0x17b: {  	[tilespmem:s23+$0x1D750] =	vst v1;
	v1 =	vld [tilespmem:s23+$0x1B770];
	_ =	sdelay $0x1  }
0x17c: {  	v0 =	vld.idx.msk [tilespmem:v0+s4+$0x0], $0xffff;
	_ =	sdelay $0x4  }
0x17d: {  	[tilespmem:s23+$0x1D760] =	vst v0;
	v0 =	vld [tilespmem:s23+$0x1B780]  }
0x17e: {  	v1 =	vld.idx.msk [tilespmem:v1+s4+$0x0], $0xffff;
	_ =	sdelay $0x4  }
0x17f: {  	[tilespmem:s23+$0x1D770] =	vst v1;
	v1 =	vld [tilespmem:s23+$0x1B790];
	_ =	sdelay $0x1  }
0x180: {  	v0 =	vld.idx.msk [tilespmem:v0+s4+$0x0], $0xffff;
	_ =	sdelay $0x4  }
0x181: {  	[tilespmem:s23+$0x1D780] =	vst v0;
	v0 =	vld [tilespmem:s23+$0x1B7A0]  }
0x182: {  	v1 =	vld.idx.msk [tilespmem:v1+s4+$0x0], $0xffff;
	_ =	sdelay $0x4  }
0x183: {  	[tilespmem:s23+$0x1D790] =	vst v1;
	v1 =	vld [tilespmem:s23+$0x1B7B0];
	_ =	sdelay $0x1  }
0x184: {  	v0 =	vld.idx.msk [tilespmem:v0+s4+$0x0], $0xffff;
	_ =	sdelay $0x4  }
0x185: {  	[tilespmem:s23+$0x1D7A0] =	vst v0;
	v0 =	vld [tilespmem:s23+$0x1B7C0]  }
0x186: {  	v1 =	vld.idx.msk [tilespmem:v1+s4+$0x0], $0xffff;
	_ =	sdelay $0x4  }
0x187: {  	[tilespmem:s23+$0x1D7B0] =	vst v1;
	v1 =	vld [tilespmem:s23+$0x1B7D0];
	_ =	sdelay $0x1  }
0x188: {  	v0 =	vld.idx.msk [tilespmem:v0+s4+$0x0], $0xffff;
	_ =	sdelay $0x4  }
0x189: {  	v2 =	vld [tilespmem:s23+$0x1B7E0];
	[tilespmem:s23+$0x1D7C0] =	vst v0  }
0x18a: {  	v0 =	vld.idx.msk [tilespmem:v1+s4+$0x0], $0xffff;
	_ =	sdelay $0x4  }
0x18b: {  	[tilespmem:s23+$0x1D7D0] =	vst v0;
	v0 =	vld [tilespmem:s23+$0x1B7F0];
	_ =	sdelay $0x1  }
0x18c: {  	v1 =	vld.idx.msk [tilespmem:v2+s4+$0x0], $0xffff;
	_ =	sdelay $0x3  }
0x18d: {  	s24 =	simm.s32 $0x800;
	s25 =	simm.s32 $0x100  }
.LBB2_9:
0x18e: {  	p1 =	sne.s32 s24, $0x3C00;
	v2 =	vld [tilespmem:s25+$0x1B700];
	[tilespmem:s23+$0x1D7E0] =	vst v1  }
0x18f: {  	v0 =	vld.idx.msk [tilespmem:v0+s4+$0x0], $0xffff;
	_ =	sdelay $0x5  }
0x190: {  	v1 =	vld [tilespmem:s25+$0x1B710];
	[tilespmem:s23+$0x1D7F0] =	vst v0;
	s23 =	smov.u32 s25  }
0x191: {  	v0 =	vld.idx.msk [tilespmem:v2+s4+$0x0], $0xffff;
	_ =	sdelay $0x5  }
0x192: {  	[tilespmem:s23+$0x1D700] =	vst v0;
	v0 =	vld [tilespmem:s23+$0x1B720]  }
0x193: {  	v1 =	vld.idx.msk [tilespmem:v1+s4+$0x0], $0xffff;
	_ =	sdelay $0x5  }
0x194: {  	[tilespmem:s23+$0x1D710] =	vst v1;
	v1 =	vld [tilespmem:s23+$0x1B730]  }
0x195: {  	v0 =	vld.idx.msk [tilespmem:v0+s4+$0x0], $0xffff;
	_ =	sdelay $0x5  }
0x196: {  	[tilespmem:s23+$0x1D720] =	vst v0;
	v0 =	vld [tilespmem:s23+$0x1B740]  }
0x197: {  	v1 =	vld.idx.msk [tilespmem:v1+s4+$0x0], $0xffff;
	_ =	sdelay $0x5  }
0x198: {  	[tilespmem:s23+$0x1D730] =	vst v1;
	v1 =	vld [tilespmem:s23+$0x1B750]  }
0x199: {  	v0 =	vld.idx.msk [tilespmem:v0+s4+$0x0], $0xffff;
	_ =	sdelay $0x5  }
0x19a: {  	[tilespmem:s23+$0x1D740] =	vst v0;
	v0 =	vld [tilespmem:s23+$0x1B760]  }
0x19b: {  	v1 =	vld.idx.msk [tilespmem:v1+s4+$0x0], $0xffff;
	_ =	sdelay $0x5  }
0x19c: {  	[tilespmem:s23+$0x1D750] =	vst v1;
	v1 =	vld [tilespmem:s23+$0x1B770]  }
0x19d: {  	v0 =	vld.idx.msk [tilespmem:v0+s4+$0x0], $0xffff;
	_ =	sdelay $0x5  }
0x19e: {  	[tilespmem:s23+$0x1D760] =	vst v0;
	v0 =	vld [tilespmem:s23+$0x1B780]  }
0x19f: {  	v1 =	vld.idx.msk [tilespmem:v1+s4+$0x0], $0xffff;
	_ =	sdelay $0x5  }
0x1a0: {  	[tilespmem:s23+$0x1D770] =	vst v1;
	v1 =	vld [tilespmem:s23+$0x1B790]  }
0x1a1: {  	v0 =	vld.idx.msk [tilespmem:v0+s4+$0x0], $0xffff;
	_ =	sdelay $0x5  }
0x1a2: {  	[tilespmem:s23+$0x1D780] =	vst v0;
	v0 =	vld [tilespmem:s23+$0x1B7A0]  }
0x1a3: {  	v1 =	vld.idx.msk [tilespmem:v1+s4+$0x0], $0xffff;
	_ =	sdelay $0x5  }
0x1a4: {  	[tilespmem:s23+$0x1D790] =	vst v1;
	v1 =	vld [tilespmem:s23+$0x1B7B0]  }
0x1a5: {  	v0 =	vld.idx.msk [tilespmem:v0+s4+$0x0], $0xffff;
	_ =	sdelay $0x5  }
0x1a6: {  	[tilespmem:s23+$0x1D7A0] =	vst v0;
	v0 =	vld [tilespmem:s23+$0x1B7C0]  }
0x1a7: {  	v1 =	vld.idx.msk [tilespmem:v1+s4+$0x0], $0xffff;
	_ =	sdelay $0x5  }
0x1a8: {  	[tilespmem:s23+$0x1D7B0] =	vst v1;
	v1 =	vld [tilespmem:s23+$0x1B7D0]  }
0x1a9: {  	v0 =	vld.idx.msk [tilespmem:v0+s4+$0x0], $0xffff;
	_ =	sdelay $0x5  }
0x1aa: {  	[tilespmem:s23+$0x1D7C0] =	vst v0;
	v2 =	vld [tilespmem:s23+$0x1B7E0]  }
0x1ab: {  	v0 =	vld.idx.msk [tilespmem:v1+s4+$0x0], $0xffff;
	_ =	sdelay $0x5  }
0x1ac: {  	[tilespmem:s23+$0x1D7D0] =	vst v0;
	v0 =	vld [tilespmem:s23+$0x1B7F0]  }
0x1ad: {  	v1 =	vld.idx.msk [tilespmem:v2+s4+$0x0], $0xffff  }
.Ltmp3:
0x1ae: {  	(pc) =	sbr.rel @p1 .LBB2_9-.Ltmp3, $2  }
0x1af: {  	_ =	sdelay $0x2  }
0x1b0: {  	s25 =	sshra.s32 s24, $0x2;
	s24 =	sadd.s32 $0x400, s24  }
0x1b1: {  	_ =	sdelay $0x1  }
0x1b2: {  	v2 =	vld [tilespmem:s25+$0x1B700]  }
0x1b3: {  	[tilespmem:s23+$0x1D7E0] =	vst v1  }
0x1b4: {  	v0 =	vld.idx.msk [tilespmem:v0+s4+$0x0], $0xffff;
	_ =	sdelay $0x3  }
0x1b5: {  	v1 =	vld [tilespmem:s25+$0x1B710]  }
0x1b6: {  	[tilespmem:s23+$0x1D7F0] =	vst v0  }
0x1b7: {  	v0 =	vld.idx.msk [tilespmem:v2+s4+$0x0], $0xffff;
	_ =	sdelay $0x3  }
0x1b8: {  	v50 =	vld [tilespmem:s25+$0x1B720]  }
0x1b9: {  	[tilespmem:s25+$0x1D700] =	vst v0  }
0x1ba: {  	v1 =	vld.idx.msk [tilespmem:v1+s4+$0x0], $0xffff;
	_ =	sdelay $0x3  }
0x1bb: {  	v51 =	vld [tilespmem:s25+$0x1B730]  }
0x1bc: {  	[tilespmem:s25+$0x1D710] =	vst v1  }
0x1bd: {  	v0 =	vld.idx.msk [tilespmem:v50+s4+$0x0], $0xffff;
	_ =	sdelay $0x3  }
0x1be: {  	v52 =	vld [tilespmem:s25+$0x1B740]  }
0x1bf: {  	[tilespmem:s25+$0x1D720] =	vst v0  }
0x1c0: {  	v1 =	vld.idx.msk [tilespmem:v51+s4+$0x0], $0xffff;
	_ =	sdelay $0x3  }
0x1c1: {  	v53 =	vld [tilespmem:s25+$0x1B750]  }
0x1c2: {  	[tilespmem:s25+$0x1D730] =	vst v1  }
0x1c3: {  	v0 =	vld.idx.msk [tilespmem:v52+s4+$0x0], $0xffff;
	_ =	sdelay $0x3  }
0x1c4: {  	v54 =	vld [tilespmem:s25+$0x1B760]  }
0x1c5: {  	[tilespmem:s25+$0x1D740] =	vst v0  }
0x1c6: {  	v1 =	vld.idx.msk [tilespmem:v53+s4+$0x0], $0xffff;
	_ =	sdelay $0x3  }
0x1c7: {  	v55 =	vld [tilespmem:s25+$0x1B770]  }
0x1c8: {  	[tilespmem:s25+$0x1D750] =	vst v1  }
0x1c9: {  	v0 =	vld.idx.msk [tilespmem:v54+s4+$0x0], $0xffff;
	_ =	sdelay $0x3  }
0x1ca: {  	v56 =	vld [tilespmem:s25+$0x1B780]  }
0x1cb: {  	[tilespmem:s25+$0x1D760] =	vst v0  }
0x1cc: {  	v1 =	vld.idx.msk [tilespmem:v55+s4+$0x0], $0xffff;
	_ =	sdelay $0x3  }
0x1cd: {  	v57 =	vld [tilespmem:s25+$0x1B790]  }
0x1ce: {  	[tilespmem:s25+$0x1D770] =	vst v1  }
0x1cf: {  	v0 =	vld.idx.msk [tilespmem:v56+s4+$0x0], $0xffff;
	_ =	sdelay $0x3  }
0x1d0: {  	v58 =	vld [tilespmem:s25+$0x1B7A0]  }
0x1d1: {  	[tilespmem:s25+$0x1D780] =	vst v0  }
0x1d2: {  	v1 =	vld.idx.msk [tilespmem:v57+s4+$0x0], $0xffff;
	_ =	sdelay $0x3  }
0x1d3: {  	v59 =	vld [tilespmem:s25+$0x1B7B0]  }
0x1d4: {  	[tilespmem:s25+$0x1D790] =	vst v1  }
0x1d5: {  	v0 =	vld.idx.msk [tilespmem:v58+s4+$0x0], $0xffff;
	_ =	sdelay $0x3  }
0x1d6: {  	v60 =	vld [tilespmem:s25+$0x1B7C0]  }
0x1d7: {  	[tilespmem:s25+$0x1D7A0] =	vst v0  }
0x1d8: {  	v1 =	vld.idx.msk [tilespmem:v59+s4+$0x0], $0xffff;
	_ =	sdelay $0x3  }
0x1d9: {  	v61 =	vld [tilespmem:s25+$0x1B7D0]  }
0x1da: {  	[tilespmem:s25+$0x1D7B0] =	vst v1  }
0x1db: {  	v0 =	vld.idx.msk [tilespmem:v60+s4+$0x0], $0xffff;
	_ =	sdelay $0x3  }
0x1dc: {  	v62 =	vld [tilespmem:s25+$0x1B7E0]  }
0x1dd: {  	[tilespmem:s25+$0x1D7C0] =	vst v0  }
0x1de: {  	v1 =	vld.idx.msk [tilespmem:v61+s4+$0x0], $0xffff;
	_ =	sdelay $0x3  }
0x1df: {  	v63 =	vld [tilespmem:s25+$0x1B7F0]  }
0x1e0: {  	[tilespmem:s25+$0x1D7D0] =	vst v1  }
0x1e1: {  	v0 =	vld.idx.msk [tilespmem:v62+s4+$0x0], $0xffff;
	_ =	sdelay $0x4  }
0x1e2: {  	[tilespmem:s25+$0x1D7E0] =	vst v0  }
0x1e3: {  	v0 =	vld.idx.msk [tilespmem:v63+s4+$0x0], $0xffff;
	_ =	sdelay $0x4  }
0x1e4: {  	s22 =	sadd.s32 s22, s9;
	s21 =	sadd.s32 $0x1, s21;
	[tilespmem:s25+$0x1D7F0] =	vst v0  }
0x1e5: {  	[hbm4b:s22+s11] =	stream.strided.scatter [tilespmem:s17], [sflag:$0x4], $0x1000, s12, s11, $0x38;
	[tilespmem:$0x1E700] =	vst v63  }
0x1e6: {  	p1 =	sne.s32 s21, $0xD;
	_ =	swait.ge [sflag:s18], $0x1000  }
.Ltmp4:
0x1e7: {  	[sflag:s18] =	ssyncset.done $0x0;
	(pc) =	sbr.rel @p1 .LBB2_2-.Ltmp4, $4  }
0x1e8: {  	[sflag:s18] =	ssyncadd.s32 $0xFFFFF000  }
0x1e9: {  	_ =	swait.ge [sflag:s19], $0x1000  }
0x1ea: {  	[sflag:s19] =	ssyncset.done $0x0  }
0x1eb: {  	[sflag:s19] =	ssyncadd.s32 $0xFFFFF000  }
0x1ec: {  	s20 =	sadd.s32 $0x1, s20  }
0x1ed: {  	p1 =	sne.s32 s20, s10  }
.Ltmp5:
0x1ee: {  	_ = 	snop;
	(pc) =	sbr.rel @p1 .LBB2_1-.Ltmp5, $1  }
0x1ef: {  	_ =	sdelay $0x3  }
0x1f0: {  	_ =	sfence.sel $0x180000  }
0x1f1: {  	[bflag:$0x0] =	sbarrier.arrive $0xFFFF  }
0x1f2: {  	p0 =	sne.s32 s3, $0x0;
	_ =	strace $0x90000047  }
0x1f3: {  	s0 =	sadd.s32 @!p0 $0x100000, s0;
	[bflag:$0x2] =	sbarrier.arrive $0xFFFF  }
0x1f4: {  	[sflag:s0] =	ssyncadd.tile.s32 @!p0 $0x1;
	_ =	shalt  }
.Lfunc_end2:
_tile_overlayer_lowered:
.L_overlay_start_2:
0x1f5: {  	(tag) =	ssettag $0x2  }
0x1f6: {  	s0 =	rddreg [dreg:$0x0];
	s2 =	stileid.u32  }
0x1f7: {  	s1 =	rddreg [dreg:$0x1];
	p0 =	sne.s32 s2, $0x0  }
0x1f8: {  	s3 =	rddreg [dreg:$0x2];
	[bflag:$0x3] =	sbarrier.arrive $0xFFFF;
	s2 =	simm.s32 @!p0 $0x1C05  }
0x1f9: {  	[timem:s3], [sflag:s2] =	dma.local @!p0 [hbm:s0], s1  }
0x1fa: {  	s0 =	simm.s32 @!p0 $0x5  }
0x1fb: {  	_ =	swait.ge @!p0 [sflag:s0], s1  }
0x1fc: {  	s1 =	ssub.s32 @!p0 $0x0, s1;
	[sflag:s0] =	ssyncset.done @!p0 $0x0  }
0x1fd: {  	[sflag:s0] =	ssyncadd.s32 @!p0 s1  }
0x1fe: {  	[bflag:$0x3] =	sbarrier.arrive $0xFFFF  }
0x1ff: {  	_ =	shalt  }

</sc_bundles>
